<compile_context>
chip_gen: v7x
topology: tpu7x:2x2x1
jax: 0.10.2.dev20260603
libtpu: 0.0.44.dev20260713+nightly
codegen_flags: <defaults>
</compile_context>

<pallas_src>
import functools

import jax
import jax.numpy as jnp
from jax import lax
from jax.experimental import pallas as pl
from jax.experimental.pallas import tpu as pltpu
from jax.experimental.pallas import tpu_sc as plsc


def kernel(output_of_intra_node_moe_tensor, x, route_prob_max, indexes):
    batch, seq, d_model = x.shape
    tokens = batch * seq
    src = output_of_intra_node_moe_tensor
    idx_flat = indexes.reshape(-1).astype(jnp.int32)
    prob = route_prob_max

    info = plsc.get_sparse_core_info()
    num_workers = info.num_cores * info.num_subcores
    lanes = info.num_lanes
    rows_per_worker = tokens // num_workers
    chunk = 8
    n_chunks = rows_per_worker // chunk
    half = rows_per_worker // 2
    idx2d = idx_flat.reshape(tokens // chunk, chunk)

    mesh = plsc.VectorSubcoreMesh(core_axis_name="c", subcore_axis_name="s")

    @functools.partial(
        pl.kernel,
        mesh=mesh,
        out_type=jax.ShapeDtypeStruct((tokens, d_model), jnp.float32),
        scratch_types=[
            pltpu.VMEM((n_chunks, chunk), jnp.int32),
            pltpu.VMEM((2, half), jnp.int32),
            pltpu.VMEM((rows_per_worker,), jnp.float32),
            pltpu.VMEM((chunk, d_model), jnp.float32),
            pltpu.VMEM((chunk, d_model), jnp.float32),
            pltpu.VMEM((chunk, d_model), jnp.float32),
            pltpu.VMEM((chunk, d_model), jnp.float32),
            pltpu.SemaphoreType.DMA,
            pltpu.SemaphoreType.DMA,
            pltpu.SemaphoreType.DMA,
            pltpu.SemaphoreType.DMA,
            pltpu.SemaphoreType.DMA,
        ],
    )
    def sc_kernel(src_hbm, idx_hbm, idx2d_hbm, prob_hbm, out_hbm, idx8, idx2,
                  probs_v, lbuf0, lbuf1, sbuf0, sbuf1, psem, ld0, ld1, st0,
                  st1):
        wid = lax.axis_index("s") * info.num_cores + lax.axis_index("c")
        base = wid * rows_per_worker
        pltpu.sync_copy(idx2d_hbm.at[pl.ds(wid * n_chunks, n_chunks)], idx8)
        pltpu.sync_copy(idx_hbm.at[pl.ds(base, half)], idx2.at[0])
        pltpu.sync_copy(idx_hbm.at[pl.ds(base + half, half)], idx2.at[1])

        lbufs = (lbuf0, lbuf1)
        sbufs = (sbuf0, sbuf1)
        lds = (ld0, ld1)
        sts = (st0, st1)

        pltpu.async_copy(prob_hbm.at[idx2.at[0]], probs_v.at[pl.ds(0, half)],
                         psem)
        pltpu.async_copy(prob_hbm.at[idx2.at[1]],
                         probs_v.at[pl.ds(half, half)], psem)

        def issue_load(c, q):
            pltpu.async_copy(
                src_hbm.at[pl.ds(base + c * chunk, chunk)], lbufs[q], lds[q])

        def wait_load(q):
            pltpu.make_async_copy(
                src_hbm.at[pl.ds(0, chunk)], lbufs[q], lds[q]).wait()

        def wait_scatter(q):
            pltpu.make_async_copy(
                sbufs[q], out_hbm.at[idx8.at[0]], sts[q]).wait()

        dnums = lax.GatherDimensionNumbers(
            offset_dims=(), collapsed_slice_dims=(0,), start_index_map=(0,))

        def compute(pv16, q):
            for j in range(chunk):
                pj = lax.gather(
                    pv16, jnp.full((lanes, 1), q * chunk + j, jnp.int32),
                    dnums, slice_sizes=(1,),
                    mode=lax.GatherScatterMode.PROMISE_IN_BOUNDS)

                @plsc.parallel_loop(0, d_model // lanes, unroll=8)
                def _row(i, j=j, pj=pj, q=q):
                    sl = pl.ds(i * lanes, lanes)
                    sbufs[q][j, sl] = lbufs[q][j, sl] * pj

        issue_load(0, 0)
        issue_load(1, 1)
        pltpu.make_async_copy(
            prob_hbm.at[idx2.at[0]], probs_v.at[pl.ds(0, half)], psem).wait()
        pltpu.make_async_copy(
            prob_hbm.at[idx2.at[1]], probs_v.at[pl.ds(half, half)],
            psem).wait()

        def do_chunk(c, q, pv16):
            wait_load(q)

            @pl.when(c >= 2)
            def _():
                wait_scatter(q)

            compute(pv16, q)

            @pl.when(c < n_chunks - 2)
            def _():
                issue_load(c + 2, q)

            pltpu.async_copy(sbufs[q], out_hbm.at[idx8.at[c]], sts[q])

        def pair_body(g, carry):
            pv16 = probs_v[pl.ds(g * lanes, lanes)]
            do_chunk(2 * g, 0, pv16)
            do_chunk(2 * g + 1, 1, pv16)
            return carry

        lax.fori_loop(0, n_chunks // 2, pair_body, 0)
        wait_scatter(0)
        wait_scatter(1)

    out = sc_kernel(src, idx_flat, idx2d, prob)
    return out.reshape(batch, seq, d_model)

# --- scband reference (transcript-rebuilt; emitter-appended) ---
"""Pipeline reference for scband-inter-node-mo-elayer-out-2199023256088 (READ-ONLY COPY).

The authoritative reference and input builder live on the scoring server;
editing this copy changes nothing except your own understanding.
"""

import jax, jax.numpy as jnp
import numpy as np

B, S, D, E = 4, 2048, 2048, 8
T = B * S
CAP = T // E  # capacity with capacity_factor=1.0, no dropped tokens


def setup_inputs(seed: int = 0) -> dict:
    key = jax.random.key(seed)
    k1, k2, k3, k4 = jax.random.split(key, 4)
    x = jax.random.normal(k1, (B, S, D), dtype=jnp.float32)
    output_of_intra_node_moe_tensor = jax.random.normal(k2, (E * CAP, D), dtype=jnp.float32)
    route_prob_max = jax.random.uniform(k3, (T,), dtype=jnp.float32)
    # indexes_list flattened to [E, CAP]: a permutation of token ids, expert i
    # owns row i (each expert exactly at capacity, so `dropped` is empty).
    indexes = jax.random.permutation(k4, T).reshape(E, CAP).astype(jnp.int32)
    return {
        "output_of_intra_node_moe_tensor": output_of_intra_node_moe_tensor,
        "x": x,
        "route_prob_max": route_prob_max,
        "indexes": indexes,
    }


def reference(output_of_intra_node_moe_tensor, x, route_prob_max, indexes):
    # Single-process emulation: _AllToAll over a size-E group with one local
    # shard is an identity on the gathered tensor (already [E*CAP, D]).
    batch_size, seq_len, d_model = x.shape
    xf = x.reshape(-1, d_model)
    final_output = jnp.zeros_like(xf)
    n_experts_inter, capacity = indexes.shape
    outputs_of_intra_node_moe_tensor = output_of_intra_node_moe_tensor
    # for i in range(E): final_output[indexes_list[i], :] = outputs[i*cap : i*cap+len(idx_i)]
    for i in range(n_experts_inter):
        final_output = final_output.at[indexes[i], :].set(
            outputs_of_intra_node_moe_tensor[i * capacity:(i + 1) * capacity]
        )
    # no dropped tokens (capacity_factor=1.0 exact split) -> dropped branch skipped
    route_prob_factor = route_prob_max
    final_output = final_output * route_prob_factor.reshape(-1, 1)
    final_output = final_output.reshape(batch_size, seq_len, d_model)
    # dropout with p=0.0 is identity
    return final_output

if __name__ == "__main__":
    import jax
    _d = setup_inputs()
    print(jax.jit(kernel)(*tuple(_d.values())))

</pallas_src>

<mosaic_0001>
#map = affine_map<(d0, d1) -> (0, 0)>
#map1 = affine_map<(d0, d1) -> (0)>
module attributes {stable_mosaic.version = 14 : i64} {
  func.func @sc_kernel(%arg0: i32, %arg1: i32, %arg2: memref<8192x2048xf32, #tpu.memory_space<hbm>>, %arg3: memref<8192xi32, #tpu.memory_space<hbm>>, %arg4: memref<1024x8xi32, #tpu.memory_space<hbm>>, %arg5: memref<8192xf32, #tpu.memory_space<hbm>>, %arg6: memref<8192x2048xf32, #tpu.memory_space<hbm>>, %arg7: memref<32x8xi32, #tpu.memory_space<vmem>>, %arg8: memref<2x128xi32, #tpu.memory_space<vmem>>, %arg9: memref<256xf32, #tpu.memory_space<vmem>>, %arg10: memref<8x2048xf32, #tpu.memory_space<vmem>>, %arg11: memref<8x2048xf32, #tpu.memory_space<vmem>>, %arg12: memref<8x2048xf32, #tpu.memory_space<vmem>>, %arg13: memref<8x2048xf32, #tpu.memory_space<vmem>>, %arg14: memref<!tpu.dma_semaphore, #tpu.memory_space<semaphore_mem>>, %arg15: memref<!tpu.dma_semaphore, #tpu.memory_space<semaphore_mem>>, %arg16: memref<!tpu.dma_semaphore, #tpu.memory_space<semaphore_mem>>, %arg17: memref<!tpu.dma_semaphore, #tpu.memory_space<semaphore_mem>>, %arg18: memref<!tpu.dma_semaphore, #tpu.memory_space<semaphore_mem>>) attributes {dimension_semantics = [#tpu.dimension_semantics<core_parallel>, #tpu.dimension_semantics<subcore_parallel>], iteration_bounds = array<i64: 2, 16>, scalar_prefetch = 0 : i64, scratch_operands = 12 : i64, tpu.core_type = #tpu.core_type<sc_vector_subcore>, window_params = [{transform_indices = #map}, {transform_indices = #map1}, {transform_indices = #map}, {transform_indices = #map1}, {transform_indices = #map}]} {
    %mul3A = arith.constant 2 : i32
    %mul3A_0 = arith.muli %arg1, %mul3A : i32
    %add3A = arith.addi %mul3A_0, %arg0 : i32
    %mul3A_1 = arith.constant 256 : i32
    %mul3A_2 = arith.muli %add3A, %mul3A_1 : i32
    %mul3A_3 = arith.constant 32 : i32
    %mul3A_4 = arith.muli %add3A, %mul3A_3 : i32
    "tpu.region"() ({
      %run_scoped3A_69 = tpu.sem_alloc : memref<!tpu.dma_semaphore, #tpu.memory_space<semaphore_mem>>
      %dma_start3A_70 = arith.constant 0 : i32
      %dma_start3A_71 = tpu.memref_slice %arg4[%mul3A_4, %dma_start3A_70] : memref<1024x8xi32, #tpu.memory_space<hbm>> -> memref<32x8xi32, #tpu.memory_space<hbm>>
      %dma_start3A_72 = arith.constant 0 : i32
      %dma_start3A_73 = tpu.memref_slice %arg4[%mul3A_4, %dma_start3A_72] : memref<1024x8xi32, #tpu.memory_space<hbm>> -> memref<32x8xi32, #tpu.memory_space<hbm>>
      tpu.enqueue_dma source(%dma_start3A_73 : memref<32x8xi32, #tpu.memory_space<hbm>>) target(%arg7 : memref<32x8xi32, #tpu.memory_space<vmem>>) target_semaphore(%run_scoped3A_69 : memref<!tpu.dma_semaphore, #tpu.memory_space<semaphore_mem>>)
      %dma_wait3A_74 = arith.constant 0 : i32
      %dma_wait3A_75 = tpu.memref_slice %arg4[%mul3A_4, %dma_wait3A_74] : memref<1024x8xi32, #tpu.memory_space<hbm>> -> memref<32x8xi32, #tpu.memory_space<hbm>>
      %dma_wait3A_76 = arith.constant 0 : i32
      %dma_wait3A_77 = tpu.memref_slice %arg4[%mul3A_4, %dma_wait3A_76] : memref<1024x8xi32, #tpu.memory_space<hbm>> -> memref<32x8xi32, #tpu.memory_space<hbm>>
      tpu.wait_dma2 semaphore(%run_scoped3A_69 : memref<!tpu.dma_semaphore, #tpu.memory_space<semaphore_mem>>) src(%dma_wait3A_77 : memref<32x8xi32, #tpu.memory_space<hbm>>) dst(%arg7 : memref<32x8xi32, #tpu.memory_space<vmem>>)
      tpu.yield
    }) : () -> ()
    %run_scoped3A = arith.constant 0 : i32
    "tpu.region"() ({
      %run_scoped3A_69 = tpu.sem_alloc : memref<!tpu.dma_semaphore, #tpu.memory_space<semaphore_mem>>
      %dma_start3A_70 = arith.constant 0 : i32
      %dma_start3A_71 = tpu.memref_slice %arg8[%run_scoped3A, %dma_start3A_70] : memref<2x128xi32, #tpu.memory_space<vmem>> -> memref<1x128xi32, #tpu.memory_space<vmem>>
      %dma_start3A_72 = tpu.memref_squeeze %dma_start3A_71 : memref<1x128xi32, #tpu.memory_space<vmem>> -> memref<128xi32, #tpu.memory_space<vmem>>
      %dma_start3A_73 = tpu.memref_slice %arg3[%mul3A_2] : memref<8192xi32, #tpu.memory_space<hbm>> -> memref<128xi32, #tpu.memory_space<hbm>>
      %dma_start3A_74 = arith.constant 0 : i32
      %dma_start3A_75 = tpu.memref_slice %arg8[%run_scoped3A, %dma_start3A_74] : memref<2x128xi32, #tpu.memory_space<vmem>> -> memref<1x128xi32, #tpu.memory_space<vmem>>
      %dma_start3A_76 = tpu.memref_squeeze %dma_start3A_75 : memref<1x128xi32, #tpu.memory_space<vmem>> -> memref<128xi32, #tpu.memory_space<vmem>>
      %dma_start3A_77 = tpu.memref_slice %arg3[%mul3A_2] : memref<8192xi32, #tpu.memory_space<hbm>> -> memref<128xi32, #tpu.memory_space<hbm>>
      tpu.enqueue_dma source(%dma_start3A_77 : memref<128xi32, #tpu.memory_space<hbm>>) target(%dma_start3A_76 : memref<128xi32, #tpu.memory_space<vmem>>) target_semaphore(%run_scoped3A_69 : memref<!tpu.dma_semaphore, #tpu.memory_space<semaphore_mem>>)
      %dma_wait3A_78 = arith.constant 0 : i32
      %dma_wait3A_79 = tpu.memref_slice %arg8[%run_scoped3A, %dma_wait3A_78] : memref<2x128xi32, #tpu.memory_space<vmem>> -> memref<1x128xi32, #tpu.memory_space<vmem>>
      %dma_wait3A_80 = tpu.memref_squeeze %dma_wait3A_79 : memref<1x128xi32, #tpu.memory_space<vmem>> -> memref<128xi32, #tpu.memory_space<vmem>>
      %dma_wait3A_81 = tpu.memref_slice %arg3[%mul3A_2] : memref<8192xi32, #tpu.memory_space<hbm>> -> memref<128xi32, #tpu.memory_space<hbm>>
      %dma_wait3A_82 = arith.constant 0 : i32
      %dma_wait3A_83 = tpu.memref_slice %arg8[%run_scoped3A, %dma_wait3A_82] : memref<2x128xi32, #tpu.memory_space<vmem>> -> memref<1x128xi32, #tpu.memory_space<vmem>>
      %dma_wait3A_84 = tpu.memref_squeeze %dma_wait3A_83 : memref<1x128xi32, #tpu.memory_space<vmem>> -> memref<128xi32, #tpu.memory_space<vmem>>
      %dma_wait3A_85 = tpu.memref_slice %arg3[%mul3A_2] : memref<8192xi32, #tpu.memory_space<hbm>> -> memref<128xi32, #tpu.memory_space<hbm>>
      tpu.wait_dma2 semaphore(%run_scoped3A_69 : memref<!tpu.dma_semaphore, #tpu.memory_space<semaphore_mem>>) src(%dma_wait3A_85 : memref<128xi32, #tpu.memory_space<hbm>>) dst(%dma_wait3A_84 : memref<128xi32, #tpu.memory_space<vmem>>)
      tpu.yield
    }) : () -> ()
    %add3A_5 = arith.constant 128 : i32
    %add3A_6 = arith.addi %mul3A_2, %add3A_5 : i32
    %run_scoped3A_7 = arith.constant 1 : i32
    "tpu.region"() ({
      %run_scoped3A_69 = tpu.sem_alloc : memref<!tpu.dma_semaphore, #tpu.memory_space<semaphore_mem>>
      %dma_start3A_70 = arith.constant 0 : i32
      %dma_start3A_71 = tpu.memref_slice %arg8[%run_scoped3A_7, %dma_start3A_70] : memref<2x128xi32, #tpu.memory_space<vmem>> -> memref<1x128xi32, #tpu.memory_space<vmem>>
      %dma_start3A_72 = tpu.memref_squeeze %dma_start3A_71 : memref<1x128xi32, #tpu.memory_space<vmem>> -> memref<128xi32, #tpu.memory_space<vmem>>
      %dma_start3A_73 = tpu.memref_slice %arg3[%add3A_6] : memref<8192xi32, #tpu.memory_space<hbm>> -> memref<128xi32, #tpu.memory_space<hbm>>
      %dma_start3A_74 = arith.constant 0 : i32
      %dma_start3A_75 = tpu.memref_slice %arg8[%run_scoped3A_7, %dma_start3A_74] : memref<2x128xi32, #tpu.memory_space<vmem>> -> memref<1x128xi32, #tpu.memory_space<vmem>>
      %dma_start3A_76 = tpu.memref_squeeze %dma_start3A_75 : memref<1x128xi32, #tpu.memory_space<vmem>> -> memref<128xi32, #tpu.memory_space<vmem>>
      %dma_start3A_77 = tpu.memref_slice %arg3[%add3A_6] : memref<8192xi32, #tpu.memory_space<hbm>> -> memref<128xi32, #tpu.memory_space<hbm>>
      tpu.enqueue_dma source(%dma_start3A_77 : memref<128xi32, #tpu.memory_space<hbm>>) target(%dma_start3A_76 : memref<128xi32, #tpu.memory_space<vmem>>) target_semaphore(%run_scoped3A_69 : memref<!tpu.dma_semaphore, #tpu.memory_space<semaphore_mem>>)
      %dma_wait3A_78 = arith.constant 0 : i32
      %dma_wait3A_79 = tpu.memref_slice %arg8[%run_scoped3A_7, %dma_wait3A_78] : memref<2x128xi32, #tpu.memory_space<vmem>> -> memref<1x128xi32, #tpu.memory_space<vmem>>
      %dma_wait3A_80 = tpu.memref_squeeze %dma_wait3A_79 : memref<1x128xi32, #tpu.memory_space<vmem>> -> memref<128xi32, #tpu.memory_space<vmem>>
      %dma_wait3A_81 = tpu.memref_slice %arg3[%add3A_6] : memref<8192xi32, #tpu.memory_space<hbm>> -> memref<128xi32, #tpu.memory_space<hbm>>
      %dma_wait3A_82 = arith.constant 0 : i32
      %dma_wait3A_83 = tpu.memref_slice %arg8[%run_scoped3A_7, %dma_wait3A_82] : memref<2x128xi32, #tpu.memory_space<vmem>> -> memref<1x128xi32, #tpu.memory_space<vmem>>
      %dma_wait3A_84 = tpu.memref_squeeze %dma_wait3A_83 : memref<1x128xi32, #tpu.memory_space<vmem>> -> memref<128xi32, #tpu.memory_space<vmem>>
      %dma_wait3A_85 = tpu.memref_slice %arg3[%add3A_6] : memref<8192xi32, #tpu.memory_space<hbm>> -> memref<128xi32, #tpu.memory_space<hbm>>
      tpu.wait_dma2 semaphore(%run_scoped3A_69 : memref<!tpu.dma_semaphore, #tpu.memory_space<semaphore_mem>>) src(%dma_wait3A_85 : memref<128xi32, #tpu.memory_space<hbm>>) dst(%dma_wait3A_84 : memref<128xi32, #tpu.memory_space<vmem>>)
      tpu.yield
    }) : () -> ()
    %dma_start3A = arith.constant 0 : i32
    %dma_start3A_8 = arith.constant 0 : i32
    %dma_start3A_9 = tpu.memref_slice %arg9[%dma_start3A_8] : memref<256xf32, #tpu.memory_space<vmem>> -> memref<128xf32, #tpu.memory_space<vmem>>
    %dma_start3A_10 = arith.constant 0 : i32
    %dma_start3A_11 = tpu.memref_slice %arg8[%dma_start3A, %dma_start3A_10] : memref<2x128xi32, #tpu.memory_space<vmem>> -> memref<1x128xi32, #tpu.memory_space<vmem>>
    %dma_start3A_12 = tpu.memref_squeeze %dma_start3A_11 : memref<1x128xi32, #tpu.memory_space<vmem>> -> memref<128xi32, #tpu.memory_space<vmem>>
    %dma_start3A_13 = arith.constant 0 : i32
    %dma_start3A_14 = tpu.memref_slice %arg5[%dma_start3A_13] : memref<8192xf32, #tpu.memory_space<hbm>> -> memref<8192xf32, #tpu.memory_space<hbm>>
    tpu.enqueue_indirect_dma source(%dma_start3A_14 : memref<8192xf32, #tpu.memory_space<hbm>>) target(%dma_start3A_9 : memref<128xf32, #tpu.memory_space<vmem>>) offsets(%dma_start3A_12 : memref<128xi32, #tpu.memory_space<vmem>>) semaphore(%arg14 : memref<!tpu.dma_semaphore, #tpu.memory_space<semaphore_mem>>)
    %dma_start3A_15 = arith.constant 1 : i32
    %dma_start3A_16 = arith.constant 128 : i32
    %dma_start3A_17 = tpu.memref_slice %arg9[%dma_start3A_16] : memref<256xf32, #tpu.memory_space<vmem>> -> memref<128xf32, #tpu.memory_space<vmem>>
    %dma_start3A_18 = arith.constant 0 : i32
    %dma_start3A_19 = tpu.memref_slice %arg8[%dma_start3A_15, %dma_start3A_18] : memref<2x128xi32, #tpu.memory_space<vmem>> -> memref<1x128xi32, #tpu.memory_space<vmem>>
    %dma_start3A_20 = tpu.memref_squeeze %dma_start3A_19 : memref<1x128xi32, #tpu.memory_space<vmem>> -> memref<128xi32, #tpu.memory_space<vmem>>
    %dma_start3A_21 = arith.constant 0 : i32
    %dma_start3A_22 = tpu.memref_slice %arg5[%dma_start3A_21] : memref<8192xf32, #tpu.memory_space<hbm>> -> memref<8192xf32, #tpu.memory_space<hbm>>
    tpu.enqueue_indirect_dma source(%dma_start3A_22 : memref<8192xf32, #tpu.memory_space<hbm>>) target(%dma_start3A_17 : memref<128xf32, #tpu.memory_space<vmem>>) offsets(%dma_start3A_20 : memref<128xi32, #tpu.memory_space<vmem>>) semaphore(%arg14 : memref<!tpu.dma_semaphore, #tpu.memory_space<semaphore_mem>>)
    %add3A_23 = arith.constant 0 : i32
    %add3A_24 = arith.addi %mul3A_2, %add3A_23 : i32
    %dma_start3A_25 = arith.constant 0 : i32
    %dma_start3A_26 = tpu.memref_slice %arg2[%add3A_24, %dma_start3A_25] : memref<8192x2048xf32, #tpu.memory_space<hbm>> -> memref<8x2048xf32, #tpu.memory_space<hbm>>
    %dma_start3A_27 = arith.constant 0 : i32
    %dma_start3A_28 = tpu.memref_slice %arg2[%add3A_24, %dma_start3A_27] : memref<8192x2048xf32, #tpu.memory_space<hbm>> -> memref<8x2048xf32, #tpu.memory_space<hbm>>
    tpu.enqueue_dma source(%dma_start3A_28 : memref<8x2048xf32, #tpu.memory_space<hbm>>) target(%arg10 : memref<8x2048xf32, #tpu.memory_space<vmem>>) target_semaphore(%arg15 : memref<!tpu.dma_semaphore, #tpu.memory_space<semaphore_mem>>)
    %add3A_29 = arith.constant 8 : i32
    %add3A_30 = arith.addi %mul3A_2, %add3A_29 : i32
    %dma_start3A_31 = arith.constant 0 : i32
    %dma_start3A_32 = tpu.memref_slice %arg2[%add3A_30, %dma_start3A_31] : memref<8192x2048xf32, #tpu.memory_space<hbm>> -> memref<8x2048xf32, #tpu.memory_space<hbm>>
    %dma_start3A_33 = arith.constant 0 : i32
    %dma_start3A_34 = tpu.memref_slice %arg2[%add3A_30, %dma_start3A_33] : memref<8192x2048xf32, #tpu.memory_space<hbm>> -> memref<8x2048xf32, #tpu.memory_space<hbm>>
    tpu.enqueue_dma source(%dma_start3A_34 : memref<8x2048xf32, #tpu.memory_space<hbm>>) target(%arg11 : memref<8x2048xf32, #tpu.memory_space<vmem>>) target_semaphore(%arg16 : memref<!tpu.dma_semaphore, #tpu.memory_space<semaphore_mem>>)
    %dma_wait3A = arith.constant 0 : i32
    %dma_wait3A_35 = arith.constant 0 : i32
    %dma_wait3A_36 = tpu.memref_slice %arg9[%dma_wait3A_35] : memref<256xf32, #tpu.memory_space<vmem>> -> memref<128xf32, #tpu.memory_space<vmem>>
    %dma_wait3A_37 = arith.constant 0 : i32
    %dma_wait3A_38 = tpu.memref_slice %arg8[%dma_wait3A, %dma_wait3A_37] : memref<2x128xi32, #tpu.memory_space<vmem>> -> memref<1x128xi32, #tpu.memory_space<vmem>>
    %dma_wait3A_39 = tpu.memref_squeeze %dma_wait3A_38 : memref<1x128xi32, #tpu.memory_space<vmem>> -> memref<128xi32, #tpu.memory_space<vmem>>
    %dma_wait3A_40 = arith.constant 0 : i32
    %dma_wait3A_41 = tpu.memref_slice %arg5[%dma_wait3A_40] : memref<8192xf32, #tpu.memory_space<hbm>> -> memref<8192xf32, #tpu.memory_space<hbm>>
    tpu.wait_indirect_dma semaphore(%arg14 : memref<!tpu.dma_semaphore, #tpu.memory_space<semaphore_mem>>) src(%dma_wait3A_41 : memref<8192xf32, #tpu.memory_space<hbm>>) dst(%dma_wait3A_36 : memref<128xf32, #tpu.memory_space<vmem>>)
    %dma_wait3A_42 = arith.constant 1 : i32
    %dma_wait3A_43 = arith.constant 128 : i32
    %dma_wait3A_44 = tpu.memref_slice %arg9[%dma_wait3A_43] : memref<256xf32, #tpu.memory_space<vmem>> -> memref<128xf32, #tpu.memory_space<vmem>>
    %dma_wait3A_45 = arith.constant 0 : i32
    %dma_wait3A_46 = tpu.memref_slice %arg8[%dma_wait3A_42, %dma_wait3A_45] : memref<2x128xi32, #tpu.memory_space<vmem>> -> memref<1x128xi32, #tpu.memory_space<vmem>>
    %dma_wait3A_47 = tpu.memref_squeeze %dma_wait3A_46 : memref<1x128xi32, #tpu.memory_space<vmem>> -> memref<128xi32, #tpu.memory_space<vmem>>
    %dma_wait3A_48 = arith.constant 0 : i32
    %dma_wait3A_49 = tpu.memref_slice %arg5[%dma_wait3A_48] : memref<8192xf32, #tpu.memory_space<hbm>> -> memref<8192xf32, #tpu.memory_space<hbm>>
    tpu.wait_indirect_dma semaphore(%arg14 : memref<!tpu.dma_semaphore, #tpu.memory_space<semaphore_mem>>) src(%dma_wait3A_49 : memref<8192xf32, #tpu.memory_space<hbm>>) dst(%dma_wait3A_44 : memref<128xf32, #tpu.memory_space<vmem>>)
    %scan3A = arith.constant 0 : i32
    %scan3A_50 = arith.constant 0 : i32
    %scan3A_51 = arith.constant 16 : i32
    %scan3A_52 = arith.addi %scan3A_50, %scan3A_51 : i32
    %scan3A_53 = arith.constant 1 : i32
    scf.for %scan3A_69 = %scan3A_50 to %scan3A_52 step %scan3A_53  : i32 {
      %mul3A_70 = arith.constant 16 : i32
      %mul3A_71 = arith.muli %scan3A_69, %mul3A_70 : i32
      %get3A = arith.index_cast %mul3A_71 : i32 to index
      %get3A_72 = tpu.vector_load %arg9[%get3A] {strides = array<i32>} : memref<256xf32, #tpu.memory_space<vmem>>, vector<16xf32>,
      %get3A_73 = vector.shape_cast %get3A_72 : vector<16xf32> to vector<16xf32>
      %mul3A_74 = arith.constant 2 : i32
      %mul3A_75 = arith.muli %mul3A_74, %scan3A_69 : i32
      %dma_wait3A_76 = arith.constant 0 : i32
      %dma_wait3A_77 = arith.constant 0 : i32
      %dma_wait3A_78 = tpu.memref_slice %arg2[%dma_wait3A_76, %dma_wait3A_77] : memref<8192x2048xf32, #tpu.memory_space<hbm>> -> memref<8x2048xf32, #tpu.memory_space<hbm>>
      %dma_wait3A_79 = arith.constant 0 : i32
      %dma_wait3A_80 = arith.constant 0 : i32
      %dma_wait3A_81 = tpu.memref_slice %arg2[%dma_wait3A_79, %dma_wait3A_80] : memref<8192x2048xf32, #tpu.memory_space<hbm>> -> memref<8x2048xf32, #tpu.memory_space<hbm>>
      tpu.wait_dma2 semaphore(%arg15 : memref<!tpu.dma_semaphore, #tpu.memory_space<semaphore_mem>>) src(%dma_wait3A_81 : memref<8x2048xf32, #tpu.memory_space<hbm>>) dst(%arg10 : memref<8x2048xf32, #tpu.memory_space<vmem>>)
      %ge3A = arith.constant 2 : i32
      %ge3A_82 = arith.cmpi sge, %mul3A_75, %ge3A : i32
      %convert_element_type3A = arith.extui %ge3A_82 : i1 to i32
      %cond3A = arith.constant 0 : i32
      %cond3A_83 = arith.cmpi ne, %convert_element_type3A, %cond3A : i32
      scf.if %cond3A_83 {
        %dma_wait3A_229 = arith.constant 0 : i32
        %dma_wait3A_230 = arith.constant 0 : i32
        %dma_wait3A_231 = tpu.memref_slice %arg7[%dma_wait3A_229, %dma_wait3A_230] : memref<32x8xi32, #tpu.memory_space<vmem>> -> memref<1x8xi32, #tpu.memory_space<vmem>>
        %dma_wait3A_232 = tpu.memref_squeeze %dma_wait3A_231 : memref<1x8xi32, #tpu.memory_space<vmem>> -> memref<8xi32, #tpu.memory_space<vmem>>
        %dma_wait3A_233 = arith.constant 0 : i32
        %dma_wait3A_234 = arith.constant 0 : i32
        %dma_wait3A_235 = tpu.memref_slice %arg6[%dma_wait3A_233, %dma_wait3A_234] : memref<8192x2048xf32, #tpu.memory_space<hbm>> -> memref<8192x2048xf32, #tpu.memory_space<hbm>>
        tpu.wait_indirect_dma semaphore(%arg17 : memref<!tpu.dma_semaphore, #tpu.memory_space<semaphore_mem>>) src(%arg12 : memref<8x2048xf32, #tpu.memory_space<vmem>>) dst(%dma_wait3A_235 : memref<8192x2048xf32, #tpu.memory_space<hbm>>)
      } else {
      }
      %broadcast_in_dim3A = arith.constant 0 : i32
      %broadcast_in_dim3A_84 = vector.broadcast %broadcast_in_dim3A : i32 to vector<16x1xi32>
      %gather3A = vector.shape_cast %broadcast_in_dim3A_84 : vector<16x1xi32> to vector<16xi32>
      %gather3A_85 = tpu.dynamic_gather %get3A_73[%gather3A] in [0] : vector<16xf32>, vector<16xi32> -> vector<16xf32>
      %parallel_loop3A = arith.constant 0 : i32
      %parallel_loop3A_86 = arith.constant 128 : i32
      %parallel_loop3A_87 = arith.constant 1 : i32
      scf.for %parallel_loop3A_229 = %parallel_loop3A to %parallel_loop3A_86 step %parallel_loop3A_87  : i32 {
        %parallel_loop3A_230 = arith.constant 16 : i32
        %parallel_loop3A_231 = arith.muli %parallel_loop3A_229, %parallel_loop3A_230 : i32
        %parallel_loop3A_232 = arith.constant 0 : i32
        %parallel_loop3A_233 = arith.index_cast %parallel_loop3A_232 : i32 to index
        %parallel_loop3A_234 = arith.index_cast %parallel_loop3A_231 : i32 to index
        %parallel_loop3A_235 = tpu.vector_load %arg10[%parallel_loop3A_233, %parallel_loop3A_234] {strides = array<i32>} : memref<8x2048xf32, #tpu.memory_space<vmem>>, vector<1x16xf32>,
        %parallel_loop3A_236 = vector.shape_cast %parallel_loop3A_235 : vector<1x16xf32> to vector<16xf32>
        %parallel_loop3A_237 = arith.mulf %parallel_loop3A_236, %gather3A_85 : vector<16xf32>
        %parallel_loop3A_238 = arith.constant 0 : i32
        %parallel_loop3A_239 = arith.index_cast %parallel_loop3A_238 : i32 to index
        %parallel_loop3A_240 = arith.index_cast %parallel_loop3A_231 : i32 to index
        %parallel_loop3A_241 = tpu.vector_load %arg12[%parallel_loop3A_239, %parallel_loop3A_240] {strides = array<i32>} : memref<8x2048xf32, #tpu.memory_space<vmem>>, vector<1x16xf32>,
        %parallel_loop3A_242 = vector.shape_cast %parallel_loop3A_241 : vector<1x16xf32> to vector<16xf32>
        %parallel_loop3A_243 = vector.shape_cast %parallel_loop3A_237 : vector<16xf32> to vector<1x16xf32>
        tpu.vector_store %arg12[%parallel_loop3A_239, %parallel_loop3A_240], %parallel_loop3A_243 {strides = array<i32>} : memref<8x2048xf32, #tpu.memory_space<vmem>>, vector<1x16xf32>,
      } {sc.loop_unroll_factor = 8 : i64, sc.parallel_access}
      %broadcast_in_dim3A_88 = arith.constant 1 : i32
      %broadcast_in_dim3A_89 = vector.broadcast %broadcast_in_dim3A_88 : i32 to vector<16x1xi32>
      %gather3A_90 = vector.shape_cast %broadcast_in_dim3A_89 : vector<16x1xi32> to vector<16xi32>
      %gather3A_91 = tpu.dynamic_gather %get3A_73[%gather3A_90] in [0] : vector<16xf32>, vector<16xi32> -> vector<16xf32>
      %parallel_loop3A_92 = arith.constant 0 : i32
      %parallel_loop3A_93 = arith.constant 128 : i32
      %parallel_loop3A_94 = arith.constant 1 : i32
      scf.for %parallel_loop3A_229 = %parallel_loop3A_92 to %parallel_loop3A_93 step %parallel_loop3A_94  : i32 {
        %parallel_loop3A_230 = arith.constant 16 : i32
        %parallel_loop3A_231 = arith.muli %parallel_loop3A_229, %parallel_loop3A_230 : i32
        %parallel_loop3A_232 = arith.constant 1 : i32
        %parallel_loop3A_233 = arith.index_cast %parallel_loop3A_232 : i32 to index
        %parallel_loop3A_234 = arith.index_cast %parallel_loop3A_231 : i32 to index
        %parallel_loop3A_235 = tpu.vector_load %arg10[%parallel_loop3A_233, %parallel_loop3A_234] {strides = array<i32>} : memref<8x2048xf32, #tpu.memory_space<vmem>>, vector<1x16xf32>,
        %parallel_loop3A_236 = vector.shape_cast %parallel_loop3A_235 : vector<1x16xf32> to vector<16xf32>
        %parallel_loop3A_237 = arith.mulf %parallel_loop3A_236, %gather3A_91 : vector<16xf32>
        %parallel_loop3A_238 = arith.constant 1 : i32
        %parallel_loop3A_239 = arith.index_cast %parallel_loop3A_238 : i32 to index
        %parallel_loop3A_240 = arith.index_cast %parallel_loop3A_231 : i32 to index
        %parallel_loop3A_241 = tpu.vector_load %arg12[%parallel_loop3A_239, %parallel_loop3A_240] {strides = array<i32>} : memref<8x2048xf32, #tpu.memory_space<vmem>>, vector<1x16xf32>,
        %parallel_loop3A_242 = vector.shape_cast %parallel_loop3A_241 : vector<1x16xf32> to vector<16xf32>
        %parallel_loop3A_243 = vector.shape_cast %parallel_loop3A_237 : vector<16xf32> to vector<1x16xf32>
        tpu.vector_store %arg12[%parallel_loop3A_239, %parallel_loop3A_240], %parallel_loop3A_243 {strides = array<i32>} : memref<8x2048xf32, #tpu.memory_space<vmem>>, vector<1x16xf32>,
      } {sc.loop_unroll_factor = 8 : i64, sc.parallel_access}
      %broadcast_in_dim3A_95 = arith.constant 2 : i32
      %broadcast_in_dim3A_96 = vector.broadcast %broadcast_in_dim3A_95 : i32 to vector<16x1xi32>
      %gather3A_97 = vector.shape_cast %broadcast_in_dim3A_96 : vector<16x1xi32> to vector<16xi32>
      %gather3A_98 = tpu.dynamic_gather %get3A_73[%gather3A_97] in [0] : vector<16xf32>, vector<16xi32> -> vector<16xf32>
      %parallel_loop3A_99 = arith.constant 0 : i32
      %parallel_loop3A_100 = arith.constant 128 : i32
      %parallel_loop3A_101 = arith.constant 1 : i32
      scf.for %parallel_loop3A_229 = %parallel_loop3A_99 to %parallel_loop3A_100 step %parallel_loop3A_101  : i32 {
        %parallel_loop3A_230 = arith.constant 16 : i32
        %parallel_loop3A_231 = arith.muli %parallel_loop3A_229, %parallel_loop3A_230 : i32
        %parallel_loop3A_232 = arith.constant 2 : i32
        %parallel_loop3A_233 = arith.index_cast %parallel_loop3A_232 : i32 to index
        %parallel_loop3A_234 = arith.index_cast %parallel_loop3A_231 : i32 to index
        %parallel_loop3A_235 = tpu.vector_load %arg10[%parallel_loop3A_233, %parallel_loop3A_234] {strides = array<i32>} : memref<8x2048xf32, #tpu.memory_space<vmem>>, vector<1x16xf32>,
        %parallel_loop3A_236 = vector.shape_cast %parallel_loop3A_235 : vector<1x16xf32> to vector<16xf32>
        %parallel_loop3A_237 = arith.mulf %parallel_loop3A_236, %gather3A_98 : vector<16xf32>
        %parallel_loop3A_238 = arith.constant 2 : i32
        %parallel_loop3A_239 = arith.index_cast %parallel_loop3A_238 : i32 to index
        %parallel_loop3A_240 = arith.index_cast %parallel_loop3A_231 : i32 to index
        %parallel_loop3A_241 = tpu.vector_load %arg12[%parallel_loop3A_239, %parallel_loop3A_240] {strides = array<i32>} : memref<8x2048xf32, #tpu.memory_space<vmem>>, vector<1x16xf32>,
        %parallel_loop3A_242 = vector.shape_cast %parallel_loop3A_241 : vector<1x16xf32> to vector<16xf32>
        %parallel_loop3A_243 = vector.shape_cast %parallel_loop3A_237 : vector<16xf32> to vector<1x16xf32>
        tpu.vector_store %arg12[%parallel_loop3A_239, %parallel_loop3A_240], %parallel_loop3A_243 {strides = array<i32>} : memref<8x2048xf32, #tpu.memory_space<vmem>>, vector<1x16xf32>,
      } {sc.loop_unroll_factor = 8 : i64, sc.parallel_access}
      %broadcast_in_dim3A_102 = arith.constant 3 : i32
      %broadcast_in_dim3A_103 = vector.broadcast %broadcast_in_dim3A_102 : i32 to vector<16x1xi32>
      %gather3A_104 = vector.shape_cast %broadcast_in_dim3A_103 : vector<16x1xi32> to vector<16xi32>
      %gather3A_105 = tpu.dynamic_gather %get3A_73[%gather3A_104] in [0] : vector<16xf32>, vector<16xi32> -> vector<16xf32>
      %parallel_loop3A_106 = arith.constant 0 : i32
      %parallel_loop3A_107 = arith.constant 128 : i32
      %parallel_loop3A_108 = arith.constant 1 : i32
      scf.for %parallel_loop3A_229 = %parallel_loop3A_106 to %parallel_loop3A_107 step %parallel_loop3A_108  : i32 {
        %parallel_loop3A_230 = arith.constant 16 : i32
        %parallel_loop3A_231 = arith.muli %parallel_loop3A_229, %parallel_loop3A_230 : i32
        %parallel_loop3A_232 = arith.constant 3 : i32
        %parallel_loop3A_233 = arith.index_cast %parallel_loop3A_232 : i32 to index
        %parallel_loop3A_234 = arith.index_cast %parallel_loop3A_231 : i32 to index
        %parallel_loop3A_235 = tpu.vector_load %arg10[%parallel_loop3A_233, %parallel_loop3A_234] {strides = array<i32>} : memref<8x2048xf32, #tpu.memory_space<vmem>>, vector<1x16xf32>,
        %parallel_loop3A_236 = vector.shape_cast %parallel_loop3A_235 : vector<1x16xf32> to vector<16xf32>
        %parallel_loop3A_237 = arith.mulf %parallel_loop3A_236, %gather3A_105 : vector<16xf32>
        %parallel_loop3A_238 = arith.constant 3 : i32
        %parallel_loop3A_239 = arith.index_cast %parallel_loop3A_238 : i32 to index
        %parallel_loop3A_240 = arith.index_cast %parallel_loop3A_231 : i32 to index
        %parallel_loop3A_241 = tpu.vector_load %arg12[%parallel_loop3A_239, %parallel_loop3A_240] {strides = array<i32>} : memref<8x2048xf32, #tpu.memory_space<vmem>>, vector<1x16xf32>,
        %parallel_loop3A_242 = vector.shape_cast %parallel_loop3A_241 : vector<1x16xf32> to vector<16xf32>
        %parallel_loop3A_243 = vector.shape_cast %parallel_loop3A_237 : vector<16xf32> to vector<1x16xf32>
        tpu.vector_store %arg12[%parallel_loop3A_239, %parallel_loop3A_240], %parallel_loop3A_243 {strides = array<i32>} : memref<8x2048xf32, #tpu.memory_space<vmem>>, vector<1x16xf32>,
      } {sc.loop_unroll_factor = 8 : i64, sc.parallel_access}
      %broadcast_in_dim3A_109 = arith.constant 4 : i32
      %broadcast_in_dim3A_110 = vector.broadcast %broadcast_in_dim3A_109 : i32 to vector<16x1xi32>
      %gather3A_111 = vector.shape_cast %broadcast_in_dim3A_110 : vector<16x1xi32> to vector<16xi32>
      %gather3A_112 = tpu.dynamic_gather %get3A_73[%gather3A_111] in [0] : vector<16xf32>, vector<16xi32> -> vector<16xf32>
      %parallel_loop3A_113 = arith.constant 0 : i32
      %parallel_loop3A_114 = arith.constant 128 : i32
      %parallel_loop3A_115 = arith.constant 1 : i32
      scf.for %parallel_loop3A_229 = %parallel_loop3A_113 to %parallel_loop3A_114 step %parallel_loop3A_115  : i32 {
        %parallel_loop3A_230 = arith.constant 16 : i32
        %parallel_loop3A_231 = arith.muli %parallel_loop3A_229, %parallel_loop3A_230 : i32
        %parallel_loop3A_232 = arith.constant 4 : i32
        %parallel_loop3A_233 = arith.index_cast %parallel_loop3A_232 : i32 to index
        %parallel_loop3A_234 = arith.index_cast %parallel_loop3A_231 : i32 to index
        %parallel_loop3A_235 = tpu.vector_load %arg10[%parallel_loop3A_233, %parallel_loop3A_234] {strides = array<i32>} : memref<8x2048xf32, #tpu.memory_space<vmem>>, vector<1x16xf32>,
        %parallel_loop3A_236 = vector.shape_cast %parallel_loop3A_235 : vector<1x16xf32> to vector<16xf32>
        %parallel_loop3A_237 = arith.mulf %parallel_loop3A_236, %gather3A_112 : vector<16xf32>
        %parallel_loop3A_238 = arith.constant 4 : i32
        %parallel_loop3A_239 = arith.index_cast %parallel_loop3A_238 : i32 to index
        %parallel_loop3A_240 = arith.index_cast %parallel_loop3A_231 : i32 to index
        %parallel_loop3A_241 = tpu.vector_load %arg12[%parallel_loop3A_239, %parallel_loop3A_240] {strides = array<i32>} : memref<8x2048xf32, #tpu.memory_space<vmem>>, vector<1x16xf32>,
        %parallel_loop3A_242 = vector.shape_cast %parallel_loop3A_241 : vector<1x16xf32> to vector<16xf32>
        %parallel_loop3A_243 = vector.shape_cast %parallel_loop3A_237 : vector<16xf32> to vector<1x16xf32>
        tpu.vector_store %arg12[%parallel_loop3A_239, %parallel_loop3A_240], %parallel_loop3A_243 {strides = array<i32>} : memref<8x2048xf32, #tpu.memory_space<vmem>>, vector<1x16xf32>,
      } {sc.loop_unroll_factor = 8 : i64, sc.parallel_access}
      %broadcast_in_dim3A_116 = arith.constant 5 : i32
      %broadcast_in_dim3A_117 = vector.broadcast %broadcast_in_dim3A_116 : i32 to vector<16x1xi32>
      %gather3A_118 = vector.shape_cast %broadcast_in_dim3A_117 : vector<16x1xi32> to vector<16xi32>
      %gather3A_119 = tpu.dynamic_gather %get3A_73[%gather3A_118] in [0] : vector<16xf32>, vector<16xi32> -> vector<16xf32>
      %parallel_loop3A_120 = arith.constant 0 : i32
      %parallel_loop3A_121 = arith.constant 128 : i32
      %parallel_loop3A_122 = arith.constant 1 : i32
      scf.for %parallel_loop3A_229 = %parallel_loop3A_120 to %parallel_loop3A_121 step %parallel_loop3A_122  : i32 {
        %parallel_loop3A_230 = arith.constant 16 : i32
        %parallel_loop3A_231 = arith.muli %parallel_loop3A_229, %parallel_loop3A_230 : i32
        %parallel_loop3A_232 = arith.constant 5 : i32
        %parallel_loop3A_233 = arith.index_cast %parallel_loop3A_232 : i32 to index
        %parallel_loop3A_234 = arith.index_cast %parallel_loop3A_231 : i32 to index
        %parallel_loop3A_235 = tpu.vector_load %arg10[%parallel_loop3A_233, %parallel_loop3A_234] {strides = array<i32>} : memref<8x2048xf32, #tpu.memory_space<vmem>>, vector<1x16xf32>,
        %parallel_loop3A_236 = vector.shape_cast %parallel_loop3A_235 : vector<1x16xf32> to vector<16xf32>
        %parallel_loop3A_237 = arith.mulf %parallel_loop3A_236, %gather3A_119 : vector<16xf32>
        %parallel_loop3A_238 = arith.constant 5 : i32
        %parallel_loop3A_239 = arith.index_cast %parallel_loop3A_238 : i32 to index
        %parallel_loop3A_240 = arith.index_cast %parallel_loop3A_231 : i32 to index
        %parallel_loop3A_241 = tpu.vector_load %arg12[%parallel_loop3A_239, %parallel_loop3A_240] {strides = array<i32>} : memref<8x2048xf32, #tpu.memory_space<vmem>>, vector<1x16xf32>,
        %parallel_loop3A_242 = vector.shape_cast %parallel_loop3A_241 : vector<1x16xf32> to vector<16xf32>
        %parallel_loop3A_243 = vector.shape_cast %parallel_loop3A_237 : vector<16xf32> to vector<1x16xf32>
        tpu.vector_store %arg12[%parallel_loop3A_239, %parallel_loop3A_240], %parallel_loop3A_243 {strides = array<i32>} : memref<8x2048xf32, #tpu.memory_space<vmem>>, vector<1x16xf32>,
      } {sc.loop_unroll_factor = 8 : i64, sc.parallel_access}
      %broadcast_in_dim3A_123 = arith.constant 6 : i32
      %broadcast_in_dim3A_124 = vector.broadcast %broadcast_in_dim3A_123 : i32 to vector<16x1xi32>
      %gather3A_125 = vector.shape_cast %broadcast_in_dim3A_124 : vector<16x1xi32> to vector<16xi32>
      %gather3A_126 = tpu.dynamic_gather %get3A_73[%gather3A_125] in [0] : vector<16xf32>, vector<16xi32> -> vector<16xf32>
      %parallel_loop3A_127 = arith.constant 0 : i32
      %parallel_loop3A_128 = arith.constant 128 : i32
      %parallel_loop3A_129 = arith.constant 1 : i32
      scf.for %parallel_loop3A_229 = %parallel_loop3A_127 to %parallel_loop3A_128 step %parallel_loop3A_129  : i32 {
        %parallel_loop3A_230 = arith.constant 16 : i32
        %parallel_loop3A_231 = arith.muli %parallel_loop3A_229, %parallel_loop3A_230 : i32
        %parallel_loop3A_232 = arith.constant 6 : i32
        %parallel_loop3A_233 = arith.index_cast %parallel_loop3A_232 : i32 to index
        %parallel_loop3A_234 = arith.index_cast %parallel_loop3A_231 : i32 to index
        %parallel_loop3A_235 = tpu.vector_load %arg10[%parallel_loop3A_233, %parallel_loop3A_234] {strides = array<i32>} : memref<8x2048xf32, #tpu.memory_space<vmem>>, vector<1x16xf32>,
        %parallel_loop3A_236 = vector.shape_cast %parallel_loop3A_235 : vector<1x16xf32> to vector<16xf32>
        %parallel_loop3A_237 = arith.mulf %parallel_loop3A_236, %gather3A_126 : vector<16xf32>
        %parallel_loop3A_238 = arith.constant 6 : i32
        %parallel_loop3A_239 = arith.index_cast %parallel_loop3A_238 : i32 to index
        %parallel_loop3A_240 = arith.index_cast %parallel_loop3A_231 : i32 to index
        %parallel_loop3A_241 = tpu.vector_load %arg12[%parallel_loop3A_239, %parallel_loop3A_240] {strides = array<i32>} : memref<8x2048xf32, #tpu.memory_space<vmem>>, vector<1x16xf32>,
        %parallel_loop3A_242 = vector.shape_cast %parallel_loop3A_241 : vector<1x16xf32> to vector<16xf32>
        %parallel_loop3A_243 = vector.shape_cast %parallel_loop3A_237 : vector<16xf32> to vector<1x16xf32>
        tpu.vector_store %arg12[%parallel_loop3A_239, %parallel_loop3A_240], %parallel_loop3A_243 {strides = array<i32>} : memref<8x2048xf32, #tpu.memory_space<vmem>>, vector<1x16xf32>,
      } {sc.loop_unroll_factor = 8 : i64, sc.parallel_access}
      %broadcast_in_dim3A_130 = arith.constant 7 : i32
      %broadcast_in_dim3A_131 = vector.broadcast %broadcast_in_dim3A_130 : i32 to vector<16x1xi32>
      %gather3A_132 = vector.shape_cast %broadcast_in_dim3A_131 : vector<16x1xi32> to vector<16xi32>
      %gather3A_133 = tpu.dynamic_gather %get3A_73[%gather3A_132] in [0] : vector<16xf32>, vector<16xi32> -> vector<16xf32>
      %parallel_loop3A_134 = arith.constant 0 : i32
      %parallel_loop3A_135 = arith.constant 128 : i32
      %parallel_loop3A_136 = arith.constant 1 : i32
      scf.for %parallel_loop3A_229 = %parallel_loop3A_134 to %parallel_loop3A_135 step %parallel_loop3A_136  : i32 {
        %parallel_loop3A_230 = arith.constant 16 : i32
        %parallel_loop3A_231 = arith.muli %parallel_loop3A_229, %parallel_loop3A_230 : i32
        %parallel_loop3A_232 = arith.constant 7 : i32
        %parallel_loop3A_233 = arith.index_cast %parallel_loop3A_232 : i32 to index
        %parallel_loop3A_234 = arith.index_cast %parallel_loop3A_231 : i32 to index
        %parallel_loop3A_235 = tpu.vector_load %arg10[%parallel_loop3A_233, %parallel_loop3A_234] {strides = array<i32>} : memref<8x2048xf32, #tpu.memory_space<vmem>>, vector<1x16xf32>,
        %parallel_loop3A_236 = vector.shape_cast %parallel_loop3A_235 : vector<1x16xf32> to vector<16xf32>
        %parallel_loop3A_237 = arith.mulf %parallel_loop3A_236, %gather3A_133 : vector<16xf32>
        %parallel_loop3A_238 = arith.constant 7 : i32
        %parallel_loop3A_239 = arith.index_cast %parallel_loop3A_238 : i32 to index
        %parallel_loop3A_240 = arith.index_cast %parallel_loop3A_231 : i32 to index
        %parallel_loop3A_241 = tpu.vector_load %arg12[%parallel_loop3A_239, %parallel_loop3A_240] {strides = array<i32>} : memref<8x2048xf32, #tpu.memory_space<vmem>>, vector<1x16xf32>,
        %parallel_loop3A_242 = vector.shape_cast %parallel_loop3A_241 : vector<1x16xf32> to vector<16xf32>
        %parallel_loop3A_243 = vector.shape_cast %parallel_loop3A_237 : vector<16xf32> to vector<1x16xf32>
        tpu.vector_store %arg12[%parallel_loop3A_239, %parallel_loop3A_240], %parallel_loop3A_243 {strides = array<i32>} : memref<8x2048xf32, #tpu.memory_space<vmem>>, vector<1x16xf32>,
      } {sc.loop_unroll_factor = 8 : i64, sc.parallel_access}
      %lt3A = arith.constant 30 : i32
      %lt3A_137 = arith.cmpi slt, %mul3A_75, %lt3A : i32
      %convert_element_type3A_138 = arith.extui %lt3A_137 : i1 to i32
      %cond3A_139 = arith.constant 0 : i32
      %cond3A_140 = arith.cmpi ne, %convert_element_type3A_138, %cond3A_139 : i32
      scf.if %cond3A_140 {
        %add3A_229 = arith.constant 2 : i32
        %add3A_230 = arith.addi %mul3A_75, %add3A_229 : i32
        %mul3A_231 = arith.constant 8 : i32
        %mul3A_232 = arith.muli %add3A_230, %mul3A_231 : i32
        %add3A_233 = arith.addi %mul3A_2, %mul3A_232 : i32
        %dma_start3A_234 = arith.constant 0 : i32
        %dma_start3A_235 = tpu.memref_slice %arg2[%add3A_233, %dma_start3A_234] : memref<8192x2048xf32, #tpu.memory_space<hbm>> -> memref<8x2048xf32, #tpu.memory_space<hbm>>
        %dma_start3A_236 = arith.constant 0 : i32
        %dma_start3A_237 = tpu.memref_slice %arg2[%add3A_233, %dma_start3A_236] : memref<8192x2048xf32, #tpu.memory_space<hbm>> -> memref<8x2048xf32, #tpu.memory_space<hbm>>
        tpu.enqueue_dma source(%dma_start3A_237 : memref<8x2048xf32, #tpu.memory_space<hbm>>) target(%arg10 : memref<8x2048xf32, #tpu.memory_space<vmem>>) target_semaphore(%arg15 : memref<!tpu.dma_semaphore, #tpu.memory_space<semaphore_mem>>)
      } else {
      }
      %dma_start3A_141 = arith.constant 0 : i32
      %dma_start3A_142 = tpu.memref_slice %arg7[%mul3A_75, %dma_start3A_141] : memref<32x8xi32, #tpu.memory_space<vmem>> -> memref<1x8xi32, #tpu.memory_space<vmem>>
      %dma_start3A_143 = tpu.memref_squeeze %dma_start3A_142 : memref<1x8xi32, #tpu.memory_space<vmem>> -> memref<8xi32, #tpu.memory_space<vmem>>
      %dma_start3A_144 = arith.constant 0 : i32
      %dma_start3A_145 = arith.constant 0 : i32
      %dma_start3A_146 = tpu.memref_slice %arg6[%dma_start3A_144, %dma_start3A_145] : memref<8192x2048xf32, #tpu.memory_space<hbm>> -> memref<8192x2048xf32, #tpu.memory_space<hbm>>
      tpu.enqueue_indirect_dma source(%arg12 : memref<8x2048xf32, #tpu.memory_space<vmem>>) target(%dma_start3A_146 : memref<8192x2048xf32, #tpu.memory_space<hbm>>) offsets(%dma_start3A_143 : memref<8xi32, #tpu.memory_space<vmem>>) semaphore(%arg17 : memref<!tpu.dma_semaphore, #tpu.memory_space<semaphore_mem>>)
      %mul3A_147 = arith.constant 2 : i32
      %mul3A_148 = arith.muli %mul3A_147, %scan3A_69 : i32
      %add3A_149 = arith.constant 1 : i32
      %add3A_150 = arith.addi %mul3A_148, %add3A_149 : i32
      %dma_wait3A_151 = arith.constant 0 : i32
      %dma_wait3A_152 = arith.constant 0 : i32
      %dma_wait3A_153 = tpu.memref_slice %arg2[%dma_wait3A_151, %dma_wait3A_152] : memref<8192x2048xf32, #tpu.memory_space<hbm>> -> memref<8x2048xf32, #tpu.memory_space<hbm>>
      %dma_wait3A_154 = arith.constant 0 : i32
      %dma_wait3A_155 = arith.constant 0 : i32
      %dma_wait3A_156 = tpu.memref_slice %arg2[%dma_wait3A_154, %dma_wait3A_155] : memref<8192x2048xf32, #tpu.memory_space<hbm>> -> memref<8x2048xf32, #tpu.memory_space<hbm>>
      tpu.wait_dma2 semaphore(%arg16 : memref<!tpu.dma_semaphore, #tpu.memory_space<semaphore_mem>>) src(%dma_wait3A_156 : memref<8x2048xf32, #tpu.memory_space<hbm>>) dst(%arg11 : memref<8x2048xf32, #tpu.memory_space<vmem>>)
      %ge3A_157 = arith.constant 2 : i32
      %ge3A_158 = arith.cmpi sge, %add3A_150, %ge3A_157 : i32
      %convert_element_type3A_159 = arith.extui %ge3A_158 : i1 to i32
      %cond3A_160 = arith.constant 0 : i32
      %cond3A_161 = arith.cmpi ne, %convert_element_type3A_159, %cond3A_160 : i32
      scf.if %cond3A_161 {
        %dma_wait3A_229 = arith.constant 0 : i32
        %dma_wait3A_230 = arith.constant 0 : i32
        %dma_wait3A_231 = tpu.memref_slice %arg7[%dma_wait3A_229, %dma_wait3A_230] : memref<32x8xi32, #tpu.memory_space<vmem>> -> memref<1x8xi32, #tpu.memory_space<vmem>>
        %dma_wait3A_232 = tpu.memref_squeeze %dma_wait3A_231 : memref<1x8xi32, #tpu.memory_space<vmem>> -> memref<8xi32, #tpu.memory_space<vmem>>
        %dma_wait3A_233 = arith.constant 0 : i32
        %dma_wait3A_234 = arith.constant 0 : i32
        %dma_wait3A_235 = tpu.memref_slice %arg6[%dma_wait3A_233, %dma_wait3A_234] : memref<8192x2048xf32, #tpu.memory_space<hbm>> -> memref<8192x2048xf32, #tpu.memory_space<hbm>>
        tpu.wait_indirect_dma semaphore(%arg18 : memref<!tpu.dma_semaphore, #tpu.memory_space<semaphore_mem>>) src(%arg13 : memref<8x2048xf32, #tpu.memory_space<vmem>>) dst(%dma_wait3A_235 : memref<8192x2048xf32, #tpu.memory_space<hbm>>)
      } else {
      }
      %broadcast_in_dim3A_162 = arith.constant 8 : i32
      %broadcast_in_dim3A_163 = vector.broadcast %broadcast_in_dim3A_162 : i32 to vector<16x1xi32>
      %gather3A_164 = vector.shape_cast %broadcast_in_dim3A_163 : vector<16x1xi32> to vector<16xi32>
      %gather3A_165 = tpu.dynamic_gather %get3A_73[%gather3A_164] in [0] : vector<16xf32>, vector<16xi32> -> vector<16xf32>
      %parallel_loop3A_166 = arith.constant 0 : i32
      %parallel_loop3A_167 = arith.constant 128 : i32
      %parallel_loop3A_168 = arith.constant 1 : i32
      scf.for %parallel_loop3A_229 = %parallel_loop3A_166 to %parallel_loop3A_167 step %parallel_loop3A_168  : i32 {
        %parallel_loop3A_230 = arith.constant 16 : i32
        %parallel_loop3A_231 = arith.muli %parallel_loop3A_229, %parallel_loop3A_230 : i32
        %parallel_loop3A_232 = arith.constant 0 : i32
        %parallel_loop3A_233 = arith.index_cast %parallel_loop3A_232 : i32 to index
        %parallel_loop3A_234 = arith.index_cast %parallel_loop3A_231 : i32 to index
        %parallel_loop3A_235 = tpu.vector_load %arg11[%parallel_loop3A_233, %parallel_loop3A_234] {strides = array<i32>} : memref<8x2048xf32, #tpu.memory_space<vmem>>, vector<1x16xf32>,
        %parallel_loop3A_236 = vector.shape_cast %parallel_loop3A_235 : vector<1x16xf32> to vector<16xf32>
        %parallel_loop3A_237 = arith.mulf %parallel_loop3A_236, %gather3A_165 : vector<16xf32>
        %parallel_loop3A_238 = arith.constant 0 : i32
        %parallel_loop3A_239 = arith.index_cast %parallel_loop3A_238 : i32 to index
        %parallel_loop3A_240 = arith.index_cast %parallel_loop3A_231 : i32 to index
        %parallel_loop3A_241 = tpu.vector_load %arg13[%parallel_loop3A_239, %parallel_loop3A_240] {strides = array<i32>} : memref<8x2048xf32, #tpu.memory_space<vmem>>, vector<1x16xf32>,
        %parallel_loop3A_242 = vector.shape_cast %parallel_loop3A_241 : vector<1x16xf32> to vector<16xf32>
        %parallel_loop3A_243 = vector.shape_cast %parallel_loop3A_237 : vector<16xf32> to vector<1x16xf32>
        tpu.vector_store %arg13[%parallel_loop3A_239, %parallel_loop3A_240], %parallel_loop3A_243 {strides = array<i32>} : memref<8x2048xf32, #tpu.memory_space<vmem>>, vector<1x16xf32>,
      } {sc.loop_unroll_factor = 8 : i64, sc.parallel_access}
      %broadcast_in_dim3A_169 = arith.constant 9 : i32
      %broadcast_in_dim3A_170 = vector.broadcast %broadcast_in_dim3A_169 : i32 to vector<16x1xi32>
      %gather3A_171 = vector.shape_cast %broadcast_in_dim3A_170 : vector<16x1xi32> to vector<16xi32>
      %gather3A_172 = tpu.dynamic_gather %get3A_73[%gather3A_171] in [0] : vector<16xf32>, vector<16xi32> -> vector<16xf32>
      %parallel_loop3A_173 = arith.constant 0 : i32
      %parallel_loop3A_174 = arith.constant 128 : i32
      %parallel_loop3A_175 = arith.constant 1 : i32
      scf.for %parallel_loop3A_229 = %parallel_loop3A_173 to %parallel_loop3A_174 step %parallel_loop3A_175  : i32 {
        %parallel_loop3A_230 = arith.constant 16 : i32
        %parallel_loop3A_231 = arith.muli %parallel_loop3A_229, %parallel_loop3A_230 : i32
        %parallel_loop3A_232 = arith.constant 1 : i32
        %parallel_loop3A_233 = arith.index_cast %parallel_loop3A_232 : i32 to index
        %parallel_loop3A_234 = arith.index_cast %parallel_loop3A_231 : i32 to index
        %parallel_loop3A_235 = tpu.vector_load %arg11[%parallel_loop3A_233, %parallel_loop3A_234] {strides = array<i32>} : memref<8x2048xf32, #tpu.memory_space<vmem>>, vector<1x16xf32>,
        %parallel_loop3A_236 = vector.shape_cast %parallel_loop3A_235 : vector<1x16xf32> to vector<16xf32>
        %parallel_loop3A_237 = arith.mulf %parallel_loop3A_236, %gather3A_172 : vector<16xf32>
        %parallel_loop3A_238 = arith.constant 1 : i32
        %parallel_loop3A_239 = arith.index_cast %parallel_loop3A_238 : i32 to index
        %parallel_loop3A_240 = arith.index_cast %parallel_loop3A_231 : i32 to index
        %parallel_loop3A_241 = tpu.vector_load %arg13[%parallel_loop3A_239, %parallel_loop3A_240] {strides = array<i32>} : memref<8x2048xf32, #tpu.memory_space<vmem>>, vector<1x16xf32>,
        %parallel_loop3A_242 = vector.shape_cast %parallel_loop3A_241 : vector<1x16xf32> to vector<16xf32>
        %parallel_loop3A_243 = vector.shape_cast %parallel_loop3A_237 : vector<16xf32> to vector<1x16xf32>
        tpu.vector_store %arg13[%parallel_loop3A_239, %parallel_loop3A_240], %parallel_loop3A_243 {strides = array<i32>} : memref<8x2048xf32, #tpu.memory_space<vmem>>, vector<1x16xf32>,
      } {sc.loop_unroll_factor = 8 : i64, sc.parallel_access}
      %broadcast_in_dim3A_176 = arith.constant 10 : i32
      %broadcast_in_dim3A_177 = vector.broadcast %broadcast_in_dim3A_176 : i32 to vector<16x1xi32>
      %gather3A_178 = vector.shape_cast %broadcast_in_dim3A_177 : vector<16x1xi32> to vector<16xi32>
      %gather3A_179 = tpu.dynamic_gather %get3A_73[%gather3A_178] in [0] : vector<16xf32>, vector<16xi32> -> vector<16xf32>
      %parallel_loop3A_180 = arith.constant 0 : i32
      %parallel_loop3A_181 = arith.constant 128 : i32
      %parallel_loop3A_182 = arith.constant 1 : i32
      scf.for %parallel_loop3A_229 = %parallel_loop3A_180 to %parallel_loop3A_181 step %parallel_loop3A_182  : i32 {
        %parallel_loop3A_230 = arith.constant 16 : i32
        %parallel_loop3A_231 = arith.muli %parallel_loop3A_229, %parallel_loop3A_230 : i32
        %parallel_loop3A_232 = arith.constant 2 : i32
        %parallel_loop3A_233 = arith.index_cast %parallel_loop3A_232 : i32 to index
        %parallel_loop3A_234 = arith.index_cast %parallel_loop3A_231 : i32 to index
        %parallel_loop3A_235 = tpu.vector_load %arg11[%parallel_loop3A_233, %parallel_loop3A_234] {strides = array<i32>} : memref<8x2048xf32, #tpu.memory_space<vmem>>, vector<1x16xf32>,
        %parallel_loop3A_236 = vector.shape_cast %parallel_loop3A_235 : vector<1x16xf32> to vector<16xf32>
        %parallel_loop3A_237 = arith.mulf %parallel_loop3A_236, %gather3A_179 : vector<16xf32>
        %parallel_loop3A_238 = arith.constant 2 : i32
        %parallel_loop3A_239 = arith.index_cast %parallel_loop3A_238 : i32 to index
        %parallel_loop3A_240 = arith.index_cast %parallel_loop3A_231 : i32 to index
        %parallel_loop3A_241 = tpu.vector_load %arg13[%parallel_loop3A_239, %parallel_loop3A_240] {strides = array<i32>} : memref<8x2048xf32, #tpu.memory_space<vmem>>, vector<1x16xf32>,
        %parallel_loop3A_242 = vector.shape_cast %parallel_loop3A_241 : vector<1x16xf32> to vector<16xf32>
        %parallel_loop3A_243 = vector.shape_cast %parallel_loop3A_237 : vector<16xf32> to vector<1x16xf32>
        tpu.vector_store %arg13[%parallel_loop3A_239, %parallel_loop3A_240], %parallel_loop3A_243 {strides = array<i32>} : memref<8x2048xf32, #tpu.memory_space<vmem>>, vector<1x16xf32>,
      } {sc.loop_unroll_factor = 8 : i64, sc.parallel_access}
      %broadcast_in_dim3A_183 = arith.constant 11 : i32
      %broadcast_in_dim3A_184 = vector.broadcast %broadcast_in_dim3A_183 : i32 to vector<16x1xi32>
      %gather3A_185 = vector.shape_cast %broadcast_in_dim3A_184 : vector<16x1xi32> to vector<16xi32>
      %gather3A_186 = tpu.dynamic_gather %get3A_73[%gather3A_185] in [0] : vector<16xf32>, vector<16xi32> -> vector<16xf32>
      %parallel_loop3A_187 = arith.constant 0 : i32
      %parallel_loop3A_188 = arith.constant 128 : i32
      %parallel_loop3A_189 = arith.constant 1 : i32
      scf.for %parallel_loop3A_229 = %parallel_loop3A_187 to %parallel_loop3A_188 step %parallel_loop3A_189  : i32 {
        %parallel_loop3A_230 = arith.constant 16 : i32
        %parallel_loop3A_231 = arith.muli %parallel_loop3A_229, %parallel_loop3A_230 : i32
        %parallel_loop3A_232 = arith.constant 3 : i32
        %parallel_loop3A_233 = arith.index_cast %parallel_loop3A_232 : i32 to index
        %parallel_loop3A_234 = arith.index_cast %parallel_loop3A_231 : i32 to index
        %parallel_loop3A_235 = tpu.vector_load %arg11[%parallel_loop3A_233, %parallel_loop3A_234] {strides = array<i32>} : memref<8x2048xf32, #tpu.memory_space<vmem>>, vector<1x16xf32>,
        %parallel_loop3A_236 = vector.shape_cast %parallel_loop3A_235 : vector<1x16xf32> to vector<16xf32>
        %parallel_loop3A_237 = arith.mulf %parallel_loop3A_236, %gather3A_186 : vector<16xf32>
        %parallel_loop3A_238 = arith.constant 3 : i32
        %parallel_loop3A_239 = arith.index_cast %parallel_loop3A_238 : i32 to index
        %parallel_loop3A_240 = arith.index_cast %parallel_loop3A_231 : i32 to index
        %parallel_loop3A_241 = tpu.vector_load %arg13[%parallel_loop3A_239, %parallel_loop3A_240] {strides = array<i32>} : memref<8x2048xf32, #tpu.memory_space<vmem>>, vector<1x16xf32>,
        %parallel_loop3A_242 = vector.shape_cast %parallel_loop3A_241 : vector<1x16xf32> to vector<16xf32>
        %parallel_loop3A_243 = vector.shape_cast %parallel_loop3A_237 : vector<16xf32> to vector<1x16xf32>
        tpu.vector_store %arg13[%parallel_loop3A_239, %parallel_loop3A_240], %parallel_loop3A_243 {strides = array<i32>} : memref<8x2048xf32, #tpu.memory_space<vmem>>, vector<1x16xf32>,
      } {sc.loop_unroll_factor = 8 : i64, sc.parallel_access}
      %broadcast_in_dim3A_190 = arith.constant 12 : i32
      %broadcast_in_dim3A_191 = vector.broadcast %broadcast_in_dim3A_190 : i32 to vector<16x1xi32>
      %gather3A_192 = vector.shape_cast %broadcast_in_dim3A_191 : vector<16x1xi32> to vector<16xi32>
      %gather3A_193 = tpu.dynamic_gather %get3A_73[%gather3A_192] in [0] : vector<16xf32>, vector<16xi32> -> vector<16xf32>
      %parallel_loop3A_194 = arith.constant 0 : i32
      %parallel_loop3A_195 = arith.constant 128 : i32
      %parallel_loop3A_196 = arith.constant 1 : i32
      scf.for %parallel_loop3A_229 = %parallel_loop3A_194 to %parallel_loop3A_195 step %parallel_loop3A_196  : i32 {
        %parallel_loop3A_230 = arith.constant 16 : i32
        %parallel_loop3A_231 = arith.muli %parallel_loop3A_229, %parallel_loop3A_230 : i32
        %parallel_loop3A_232 = arith.constant 4 : i32
        %parallel_loop3A_233 = arith.index_cast %parallel_loop3A_232 : i32 to index
        %parallel_loop3A_234 = arith.index_cast %parallel_loop3A_231 : i32 to index
        %parallel_loop3A_235 = tpu.vector_load %arg11[%parallel_loop3A_233, %parallel_loop3A_234] {strides = array<i32>} : memref<8x2048xf32, #tpu.memory_space<vmem>>, vector<1x16xf32>,
        %parallel_loop3A_236 = vector.shape_cast %parallel_loop3A_235 : vector<1x16xf32> to vector<16xf32>
        %parallel_loop3A_237 = arith.mulf %parallel_loop3A_236, %gather3A_193 : vector<16xf32>
        %parallel_loop3A_238 = arith.constant 4 : i32
        %parallel_loop3A_239 = arith.index_cast %parallel_loop3A_238 : i32 to index
        %parallel_loop3A_240 = arith.index_cast %parallel_loop3A_231 : i32 to index
        %parallel_loop3A_241 = tpu.vector_load %arg13[%parallel_loop3A_239, %parallel_loop3A_240] {strides = array<i32>} : memref<8x2048xf32, #tpu.memory_space<vmem>>, vector<1x16xf32>,
        %parallel_loop3A_242 = vector.shape_cast %parallel_loop3A_241 : vector<1x16xf32> to vector<16xf32>
        %parallel_loop3A_243 = vector.shape_cast %parallel_loop3A_237 : vector<16xf32> to vector<1x16xf32>
        tpu.vector_store %arg13[%parallel_loop3A_239, %parallel_loop3A_240], %parallel_loop3A_243 {strides = array<i32>} : memref<8x2048xf32, #tpu.memory_space<vmem>>, vector<1x16xf32>,
      } {sc.loop_unroll_factor = 8 : i64, sc.parallel_access}
      %broadcast_in_dim3A_197 = arith.constant 13 : i32
      %broadcast_in_dim3A_198 = vector.broadcast %broadcast_in_dim3A_197 : i32 to vector<16x1xi32>
      %gather3A_199 = vector.shape_cast %broadcast_in_dim3A_198 : vector<16x1xi32> to vector<16xi32>
      %gather3A_200 = tpu.dynamic_gather %get3A_73[%gather3A_199] in [0] : vector<16xf32>, vector<16xi32> -> vector<16xf32>
      %parallel_loop3A_201 = arith.constant 0 : i32
      %parallel_loop3A_202 = arith.constant 128 : i32
      %parallel_loop3A_203 = arith.constant 1 : i32
      scf.for %parallel_loop3A_229 = %parallel_loop3A_201 to %parallel_loop3A_202 step %parallel_loop3A_203  : i32 {
        %parallel_loop3A_230 = arith.constant 16 : i32
        %parallel_loop3A_231 = arith.muli %parallel_loop3A_229, %parallel_loop3A_230 : i32
        %parallel_loop3A_232 = arith.constant 5 : i32
        %parallel_loop3A_233 = arith.index_cast %parallel_loop3A_232 : i32 to index
        %parallel_loop3A_234 = arith.index_cast %parallel_loop3A_231 : i32 to index
        %parallel_loop3A_235 = tpu.vector_load %arg11[%parallel_loop3A_233, %parallel_loop3A_234] {strides = array<i32>} : memref<8x2048xf32, #tpu.memory_space<vmem>>, vector<1x16xf32>,
        %parallel_loop3A_236 = vector.shape_cast %parallel_loop3A_235 : vector<1x16xf32> to vector<16xf32>
        %parallel_loop3A_237 = arith.mulf %parallel_loop3A_236, %gather3A_200 : vector<16xf32>
        %parallel_loop3A_238 = arith.constant 5 : i32
        %parallel_loop3A_239 = arith.index_cast %parallel_loop3A_238 : i32 to index
        %parallel_loop3A_240 = arith.index_cast %parallel_loop3A_231 : i32 to index
        %parallel_loop3A_241 = tpu.vector_load %arg13[%parallel_loop3A_239, %parallel_loop3A_240] {strides = array<i32>} : memref<8x2048xf32, #tpu.memory_space<vmem>>, vector<1x16xf32>,
        %parallel_loop3A_242 = vector.shape_cast %parallel_loop3A_241 : vector<1x16xf32> to vector<16xf32>
        %parallel_loop3A_243 = vector.shape_cast %parallel_loop3A_237 : vector<16xf32> to vector<1x16xf32>
        tpu.vector_store %arg13[%parallel_loop3A_239, %parallel_loop3A_240], %parallel_loop3A_243 {strides = array<i32>} : memref<8x2048xf32, #tpu.memory_space<vmem>>, vector<1x16xf32>,
      } {sc.loop_unroll_factor = 8 : i64, sc.parallel_access}
      %broadcast_in_dim3A_204 = arith.constant 14 : i32
      %broadcast_in_dim3A_205 = vector.broadcast %broadcast_in_dim3A_204 : i32 to vector<16x1xi32>
      %gather3A_206 = vector.shape_cast %broadcast_in_dim3A_205 : vector<16x1xi32> to vector<16xi32>
      %gather3A_207 = tpu.dynamic_gather %get3A_73[%gather3A_206] in [0] : vector<16xf32>, vector<16xi32> -> vector<16xf32>
      %parallel_loop3A_208 = arith.constant 0 : i32
      %parallel_loop3A_209 = arith.constant 128 : i32
      %parallel_loop3A_210 = arith.constant 1 : i32
      scf.for %parallel_loop3A_229 = %parallel_loop3A_208 to %parallel_loop3A_209 step %parallel_loop3A_210  : i32 {
        %parallel_loop3A_230 = arith.constant 16 : i32
        %parallel_loop3A_231 = arith.muli %parallel_loop3A_229, %parallel_loop3A_230 : i32
        %parallel_loop3A_232 = arith.constant 6 : i32
        %parallel_loop3A_233 = arith.index_cast %parallel_loop3A_232 : i32 to index
        %parallel_loop3A_234 = arith.index_cast %parallel_loop3A_231 : i32 to index
        %parallel_loop3A_235 = tpu.vector_load %arg11[%parallel_loop3A_233, %parallel_loop3A_234] {strides = array<i32>} : memref<8x2048xf32, #tpu.memory_space<vmem>>, vector<1x16xf32>,
        %parallel_loop3A_236 = vector.shape_cast %parallel_loop3A_235 : vector<1x16xf32> to vector<16xf32>
        %parallel_loop3A_237 = arith.mulf %parallel_loop3A_236, %gather3A_207 : vector<16xf32>
        %parallel_loop3A_238 = arith.constant 6 : i32
        %parallel_loop3A_239 = arith.index_cast %parallel_loop3A_238 : i32 to index
        %parallel_loop3A_240 = arith.index_cast %parallel_loop3A_231 : i32 to index
        %parallel_loop3A_241 = tpu.vector_load %arg13[%parallel_loop3A_239, %parallel_loop3A_240] {strides = array<i32>} : memref<8x2048xf32, #tpu.memory_space<vmem>>, vector<1x16xf32>,
        %parallel_loop3A_242 = vector.shape_cast %parallel_loop3A_241 : vector<1x16xf32> to vector<16xf32>
        %parallel_loop3A_243 = vector.shape_cast %parallel_loop3A_237 : vector<16xf32> to vector<1x16xf32>
        tpu.vector_store %arg13[%parallel_loop3A_239, %parallel_loop3A_240], %parallel_loop3A_243 {strides = array<i32>} : memref<8x2048xf32, #tpu.memory_space<vmem>>, vector<1x16xf32>,
      } {sc.loop_unroll_factor = 8 : i64, sc.parallel_access}
      %broadcast_in_dim3A_211 = arith.constant 15 : i32
      %broadcast_in_dim3A_212 = vector.broadcast %broadcast_in_dim3A_211 : i32 to vector<16x1xi32>
      %gather3A_213 = vector.shape_cast %broadcast_in_dim3A_212 : vector<16x1xi32> to vector<16xi32>
      %gather3A_214 = tpu.dynamic_gather %get3A_73[%gather3A_213] in [0] : vector<16xf32>, vector<16xi32> -> vector<16xf32>
      %parallel_loop3A_215 = arith.constant 0 : i32
      %parallel_loop3A_216 = arith.constant 128 : i32
      %parallel_loop3A_217 = arith.constant 1 : i32
      scf.for %parallel_loop3A_229 = %parallel_loop3A_215 to %parallel_loop3A_216 step %parallel_loop3A_217  : i32 {
        %parallel_loop3A_230 = arith.constant 16 : i32
        %parallel_loop3A_231 = arith.muli %parallel_loop3A_229, %parallel_loop3A_230 : i32
        %parallel_loop3A_232 = arith.constant 7 : i32
        %parallel_loop3A_233 = arith.index_cast %parallel_loop3A_232 : i32 to index
        %parallel_loop3A_234 = arith.index_cast %parallel_loop3A_231 : i32 to index
        %parallel_loop3A_235 = tpu.vector_load %arg11[%parallel_loop3A_233, %parallel_loop3A_234] {strides = array<i32>} : memref<8x2048xf32, #tpu.memory_space<vmem>>, vector<1x16xf32>,
        %parallel_loop3A_236 = vector.shape_cast %parallel_loop3A_235 : vector<1x16xf32> to vector<16xf32>
        %parallel_loop3A_237 = arith.mulf %parallel_loop3A_236, %gather3A_214 : vector<16xf32>
        %parallel_loop3A_238 = arith.constant 7 : i32
        %parallel_loop3A_239 = arith.index_cast %parallel_loop3A_238 : i32 to index
        %parallel_loop3A_240 = arith.index_cast %parallel_loop3A_231 : i32 to index
        %parallel_loop3A_241 = tpu.vector_load %arg13[%parallel_loop3A_239, %parallel_loop3A_240] {strides = array<i32>} : memref<8x2048xf32, #tpu.memory_space<vmem>>, vector<1x16xf32>,
        %parallel_loop3A_242 = vector.shape_cast %parallel_loop3A_241 : vector<1x16xf32> to vector<16xf32>
        %parallel_loop3A_243 = vector.shape_cast %parallel_loop3A_237 : vector<16xf32> to vector<1x16xf32>
        tpu.vector_store %arg13[%parallel_loop3A_239, %parallel_loop3A_240], %parallel_loop3A_243 {strides = array<i32>} : memref<8x2048xf32, #tpu.memory_space<vmem>>, vector<1x16xf32>,
      } {sc.loop_unroll_factor = 8 : i64, sc.parallel_access}
      %lt3A_218 = arith.constant 30 : i32
      %lt3A_219 = arith.cmpi slt, %add3A_150, %lt3A_218 : i32
      %convert_element_type3A_220 = arith.extui %lt3A_219 : i1 to i32
      %cond3A_221 = arith.constant 0 : i32
      %cond3A_222 = arith.cmpi ne, %convert_element_type3A_220, %cond3A_221 : i32
      scf.if %cond3A_222 {
        %add3A_229 = arith.constant 2 : i32
        %add3A_230 = arith.addi %add3A_150, %add3A_229 : i32
        %mul3A_231 = arith.constant 8 : i32
        %mul3A_232 = arith.muli %add3A_230, %mul3A_231 : i32
        %add3A_233 = arith.addi %mul3A_2, %mul3A_232 : i32
        %dma_start3A_234 = arith.constant 0 : i32
        %dma_start3A_235 = tpu.memref_slice %arg2[%add3A_233, %dma_start3A_234] : memref<8192x2048xf32, #tpu.memory_space<hbm>> -> memref<8x2048xf32, #tpu.memory_space<hbm>>
        %dma_start3A_236 = arith.constant 0 : i32
        %dma_start3A_237 = tpu.memref_slice %arg2[%add3A_233, %dma_start3A_236] : memref<8192x2048xf32, #tpu.memory_space<hbm>> -> memref<8x2048xf32, #tpu.memory_space<hbm>>
        tpu.enqueue_dma source(%dma_start3A_237 : memref<8x2048xf32, #tpu.memory_space<hbm>>) target(%arg11 : memref<8x2048xf32, #tpu.memory_space<vmem>>) target_semaphore(%arg16 : memref<!tpu.dma_semaphore, #tpu.memory_space<semaphore_mem>>)
      } else {
      }
      %dma_start3A_223 = arith.constant 0 : i32
      %dma_start3A_224 = tpu.memref_slice %arg7[%add3A_150, %dma_start3A_223] : memref<32x8xi32, #tpu.memory_space<vmem>> -> memref<1x8xi32, #tpu.memory_space<vmem>>
      %dma_start3A_225 = tpu.memref_squeeze %dma_start3A_224 : memref<1x8xi32, #tpu.memory_space<vmem>> -> memref<8xi32, #tpu.memory_space<vmem>>
      %dma_start3A_226 = arith.constant 0 : i32
      %dma_start3A_227 = arith.constant 0 : i32
      %dma_start3A_228 = tpu.memref_slice %arg6[%dma_start3A_226, %dma_start3A_227] : memref<8192x2048xf32, #tpu.memory_space<hbm>> -> memref<8192x2048xf32, #tpu.memory_space<hbm>>
      tpu.enqueue_indirect_dma source(%arg13 : memref<8x2048xf32, #tpu.memory_space<vmem>>) target(%dma_start3A_228 : memref<8192x2048xf32, #tpu.memory_space<hbm>>) offsets(%dma_start3A_225 : memref<8xi32, #tpu.memory_space<vmem>>) semaphore(%arg18 : memref<!tpu.dma_semaphore, #tpu.memory_space<semaphore_mem>>)
    }
    %scan3A_54 = arith.constant 16 : i32
    %dma_wait3A_55 = arith.constant 0 : i32
    %dma_wait3A_56 = arith.constant 0 : i32
    %dma_wait3A_57 = tpu.memref_slice %arg7[%dma_wait3A_55, %dma_wait3A_56] : memref<32x8xi32, #tpu.memory_space<vmem>> -> memref<1x8xi32, #tpu.memory_space<vmem>>
    %dma_wait3A_58 = tpu.memref_squeeze %dma_wait3A_57 : memref<1x8xi32, #tpu.memory_space<vmem>> -> memref<8xi32, #tpu.memory_space<vmem>>
    %dma_wait3A_59 = arith.constant 0 : i32
    %dma_wait3A_60 = arith.constant 0 : i32
    %dma_wait3A_61 = tpu.memref_slice %arg6[%dma_wait3A_59, %dma_wait3A_60] : memref<8192x2048xf32, #tpu.memory_space<hbm>> -> memref<8192x2048xf32, #tpu.memory_space<hbm>>
    tpu.wait_indirect_dma semaphore(%arg17 : memref<!tpu.dma_semaphore, #tpu.memory_space<semaphore_mem>>) src(%arg12 : memref<8x2048xf32, #tpu.memory_space<vmem>>) dst(%dma_wait3A_61 : memref<8192x2048xf32, #tpu.memory_space<hbm>>)
    %dma_wait3A_62 = arith.constant 0 : i32
    %dma_wait3A_63 = arith.constant 0 : i32
    %dma_wait3A_64 = tpu.memref_slice %arg7[%dma_wait3A_62, %dma_wait3A_63] : memref<32x8xi32, #tpu.memory_space<vmem>> -> memref<1x8xi32, #tpu.memory_space<vmem>>
    %dma_wait3A_65 = tpu.memref_squeeze %dma_wait3A_64 : memref<1x8xi32, #tpu.memory_space<vmem>> -> memref<8xi32, #tpu.memory_space<vmem>>
    %dma_wait3A_66 = arith.constant 0 : i32
    %dma_wait3A_67 = arith.constant 0 : i32
    %dma_wait3A_68 = tpu.memref_slice %arg6[%dma_wait3A_66, %dma_wait3A_67] : memref<8192x2048xf32, #tpu.memory_space<hbm>> -> memref<8192x2048xf32, #tpu.memory_space<hbm>>
    tpu.wait_indirect_dma semaphore(%arg18 : memref<!tpu.dma_semaphore, #tpu.memory_space<semaphore_mem>>) src(%arg13 : memref<8x2048xf32, #tpu.memory_space<vmem>>) dst(%dma_wait3A_68 : memref<8192x2048xf32, #tpu.memory_space<hbm>>)
    return
  }
}

</mosaic_0001>

<sc_bundles>
// kernel: kernel.3.cloned.1.call-start
scs
__scs_entry_jumppad:
0x0: {  	(pc) =	sbr.rel $0x88, $3  }
0x1: {  	(tag) =	ssettag $0x0;
	lr =	simm.s32 $0x1  }
0x2: {  	[smem:$0x3F9E] =	sst lr;
	_ =	strace $0xD0000000  }
0x3: {  	_ = 	snop  }
0x4: {  	_ = 	snop  }
0x5: {  	_ = 	snop  }
0x6: {  	_ = 	snop  }
0x7: {  	_ = 	snop  }
__scs_overlays_trampoline_lowered:
0x8: {  	[smem:$0x3FAD] =	sst s0  }
0x9: {  	[smem:$0x3FAE] =	sst s1  }
0xa: {  	[smem:$0x3FAF] =	sst s2  }
0xb: {  	[smem:$0x3FB0] =	sst s3  }
0xc: {  	[smem:$0x3FB1] =	sst s4  }
0xd: {  	[smem:$0x3FB2] =	sst s5  }
0xe: {  	[smem:$0x3FB3] =	sst s6  }
0xf: {  	[smem:$0x3FB4] =	sst s7  }
0x10: {  	[smem:$0x3FB5] =	sst s8  }
0x11: {  	[smem:$0x3FB6] =	sst s9;
	s0 =	simm.s32 @!p0 $0x0  }
0x12: {  	s1 =	sld [smem:$0x3F9C];
	s0 =	simm.s32 @p0 $0x1  }
0x13: {  	[smem:$0x3FB7] =	sst s0;
	s0 =	simm.s32 @!p1 $0x0  }
0x14: {  	s2 =	sld [smem:$0x3F9B];
	s0 =	simm.s32 @p1 $0x1  }
0x15: {  	[smem:$0x3FB8] =	sst s0;
	s0 =	simm.s32 @!p2 $0x0  }
0x16: {  	s3 =	sld [smem:$0x3FDB];
	s0 =	simm.s32 @p2 $0x1  }
0x17: {  	s4 =	simm.s32 $0x1BF5;
	[smem:$0x3FBA] =	sst s0  }
0x18: {  	s0 =	sld [smem:$0x3F9D];
	_ =	swait.ge [sflag:s4], $0x0  }
0x19: {  	s7 =	sld [smem:$0x3F9E]  }
0x1a: {  	s8 =	sadd.s32 $0xFFFFE003, lr  }
0x1b: {  	s9 =	sadd.s32 $0xFFFFFEF7, lr;
	s5 =	simm.s32 $0xFFFFFFFF;
	p2 =	slt.u32 s8, $0xFFFFF086  }
0x1c: {  	p1 =	slt.u32 s9, $0xF7A;
	s5 =	simm.s32 @!p2 $0x0  }
0x1d: {  	s5 =	simm.s32 @p1 $0x1;
	p0 =	seq.s32 s7, s2  }
0x1e: {  	s7 =	smul.u32 @!p0 $0xF7A, s2;
	p2 =	seq.s32 @!p0 s5, $0x0  }
0x1f: {  	s9 =	smul.u32 $0xF7A, s1;
	s8 =	simm.s32 @!p0 $0x1BF5;
	p2 =	por !p2, p0  }
0x20: {  	[sflag:s8] =	ssyncset.s32 @!p0 $0xFFFFF086;
	s6 =	sadd.s32 @!p0 s3, s7;
	s7 =	simm.s32 @!p0 $0x108  }
0x21: {  	s3 =	sadd.s32 s3, s9;
	s6 =	sadd.s32 @!p0 $0x88, s6;
	s7 =	simm.s32 @p2 $0x1082  }
0x22: {  	[simem:s7], [sflag:s8] =	dma.local @!p0 [hbm:s6], $0xF7A  }
0x23: {  	s9 =	sor.u32 $0xD0000000, s2;
	s6 =	simm.s32 $0x108;
	_ =	swait.ge @!p0 [sflag:s8], $0x0  }
0x24: {  	s3 =	sadd.s32 $0x88, s3;
	s6 =	simm.s32 @!p1 $0x1082;
	[sflag:s4] =	ssyncset.s32 $0xFFFFF086  }
0x25: {  	[simem:s6], [sflag:s4] =	dma.local [hbm:s3], $0xF7A  }
0x26: {  	[smem:$0x3F9E] =	sst s1;
	(tag) =	ssettag s2;
	_ =	strace s9  }
0x27: {  	s1 =	sld [smem:$0x3FAE]  }
0x28: {  	s2 =	sld [smem:$0x3FAF]  }
0x29: {  	s4 =	sld [smem:$0x3FB1]  }
0x2a: {  	p0 =	seq.s32 s5, $0x0;
	s5 =	sld [smem:$0x3FB2]  }
0x2b: {  	s6 =	sld [smem:$0x3FB3]  }
0x2c: {  	s7 =	sld [smem:$0x3FB4]  }
0x2d: {  	s3 =	simm.s32 $0x108;
	s8 =	sld [smem:$0x3FB5]  }
0x2e: {  	s3 =	simm.s32 @!p0 $0x1082;
	s9 =	sld [smem:$0x3FB6]  }
0x2f: {  	lr =	sadd.s32 s0, s3;
	s0 =	sld [smem:$0x3FAD]  }
0x30: {  	s3 =	sld [smem:$0x3FB0]  }
0x31: {  	[smem:$0x3FB9] =	sst s10  }
0x32: {  	s10 =	sld [smem:$0x3FB7];
	_ =	sdelay $0x3  }
0x33: {  	p0 =	seq.s32 s10, $0x1;
	s10 =	sld [smem:$0x3FB9];
	_ =	sdelay $0x3  }
0x34: {  	[smem:$0x3FB9] =	sst s10  }
0x35: {  	s10 =	sld [smem:$0x3FB8];
	_ =	sdelay $0x3  }
0x36: {  	p1 =	seq.s32 s10, $0x1;
	s10 =	sld [smem:$0x3FB9];
	_ =	sdelay $0x3  }
0x37: {  	[smem:$0x3FB9] =	sst s10  }
0x38: {  	s10 =	sld [smem:$0x3FBA]  }
0x39: {  	_ = 	snop;
	(pc) =	sbr.ind lr, $3  }
0x3a: {  	_ = 	snop  }
0x3b: {  	_ = 	snop  }
0x3c: {  	p2 =	seq.s32 s10, $0x1;
	s10 =	sld [smem:$0x3FB9]  }
0x3d: {  	_ =	shalt  }
0x3e: {  	_ =	shalt  }
0x3f: {  	_ =	shalt  }
0x40: {  	_ =	shalt  }
0x41: {  	_ =	shalt  }
0x42: {  	_ =	shalt  }
0x43: {  	_ =	shalt  }
0x44: {  	_ =	shalt  }
0x45: {  	_ =	shalt  }
0x46: {  	_ =	shalt  }
0x47: {  	_ =	shalt  }
0x48: {  	_ =	shalt  }
0x49: {  	_ =	shalt  }
0x4a: {  	_ =	shalt  }
0x4b: {  	_ =	shalt  }
0x4c: {  	_ =	shalt  }
0x4d: {  	_ =	shalt  }
0x4e: {  	_ =	shalt  }
0x4f: {  	_ =	shalt  }
0x50: {  	_ =	shalt  }
0x51: {  	_ =	shalt  }
0x52: {  	_ =	shalt  }
0x53: {  	_ =	shalt  }
0x54: {  	_ =	shalt  }
0x55: {  	_ =	shalt  }
0x56: {  	_ =	shalt  }
0x57: {  	_ =	shalt  }
0x58: {  	_ =	shalt  }
0x59: {  	_ =	shalt  }
0x5a: {  	_ =	shalt  }
0x5b: {  	_ =	shalt  }
0x5c: {  	_ =	shalt  }
0x5d: {  	_ =	shalt  }
0x5e: {  	_ =	shalt  }
0x5f: {  	_ =	shalt  }
0x60: {  	_ =	shalt  }
0x61: {  	_ =	shalt  }
0x62: {  	_ =	shalt  }
0x63: {  	_ =	shalt  }
0x64: {  	_ =	shalt  }
0x65: {  	_ =	shalt  }
0x66: {  	_ =	shalt  }
0x67: {  	_ =	shalt  }
0x68: {  	_ =	shalt  }
0x69: {  	_ =	shalt  }
0x6a: {  	_ =	shalt  }
0x6b: {  	_ =	shalt  }
0x6c: {  	_ =	shalt  }
0x6d: {  	_ =	shalt  }
0x6e: {  	_ =	shalt  }
0x6f: {  	_ =	shalt  }
0x70: {  	_ =	shalt  }
0x71: {  	_ =	shalt  }
0x72: {  	_ =	shalt  }
0x73: {  	_ =	shalt  }
0x74: {  	_ =	shalt  }
0x75: {  	_ =	shalt  }
0x76: {  	_ =	shalt  }
0x77: {  	_ =	shalt  }
0x78: {  	_ =	shalt  }
0x79: {  	_ =	shalt  }
0x7a: {  	_ =	shalt  }
0x7b: {  	_ =	shalt  }
0x7c: {  	_ =	shalt  }
0x7d: {  	_ =	shalt  }
0x7e: {  	_ =	shalt  }
0x7f: {  	_ =	shalt  }
0x80: {  	_ =	shalt  }
0x81: {  	_ =	shalt  }
0x82: {  	_ =	shalt  }
0x83: {  	_ =	shalt  }
0x84: {  	_ =	shalt  }
0x85: {  	_ =	shalt  }
0x86: {  	_ =	shalt  }
0x87: {  	_ =	shalt  }
.Lfunc_end0:
.L_simem_size_0:
called_computation_lowered:
.L_overlay_start_0:
0x88: {  	s2 =	sld [smem:$0x3FD9]  }
0x89: {  	s3 =	sld [smem:$0x3FFE];
	_ =	sdelay $0x1  }
0x8a: {  	s1 =	srdreg.scid  }
0x8b: {  	s0 =	sand.u32 $0x1, s1  }
0x8c: {  	s17 =	sshll.u32 s0, $0xA;
	s2 =	sadd.s32 s3, s2  }
0x8d: {  	s2 =	sadd.s32 s2, s17  }
0x8e: {  	[smem:$0x3FC5] =	sst s2  }
0x8f: {  	_ = 	snop  }
0x90: {  	s2 =	sld [smem:$0x3FC9]  }
0x91: {  	s18 =	sld [smem:$0x3FC8]  }
0x92: {  	s4 =	sld [smem:$0x3FD0];
	(tm) =	ssettm $0x1  }
0x93: {  	s5 =	sld [smem:$0x3FFB];
	_ =	sdelay $0x3  }
0x94: {  	_ =	strace s5  }
0x95: {  	s5 =	sld [smem:$0x3FFC];
	_ =	sdelay $0x3  }
0x96: {  	_ =	strace s5  }
0x97: {  	s5 =	sld [smem:$0x3FFD];
	_ =	sdelay $0x3  }
0x98: {  	_ =	strace s5  }
0x99: {  	_ =	strace $0x8FFFFFFF  }
0x9a: {  	s19 =	sld [smem:$0x3FDB];
	_ =	sdelay $0x1  }
0x9b: {  	s6 =	simm.s32 $_scs_section_size  }
0x9c: {  	s7 =	simm.s32 $_size__tile_overlayer_lowered;
	s8 =	simm.s32 $_tile_overlayer_lowered  }
0x9d: {  	s22 =	simm.s32 $0x1BFF;
	s21 =	sshll.u32 s8, $0x1;
	s5 =	sadd.s32 s6, s19  }
0x9e: {  	s9 =	simm.s32 $0x0;
	s20 =	sshll.u32 s7, $0x1;
	s7 =	sadd.s32 s21, s5  }
0x9f: {  	[timem:s9], [sflag:s22] =	dma.local [hbm:s7], s20  }
0xa0: {  	_ =	swait.ge [sflag:s22], s20  }
0xa1: {  	s6 =	ssub.s32 $0x0, s20;
	[sflag:s22] =	ssyncset.done $0x0  }
0xa2: {  	[sflag:s22] =	ssyncadd.s32 s6;
	_ =	sdelay $0x1  }
0xa3: {  	s23 =	simm.s32 $0x1B8B  }
0xa4: {  	_ =	swait.ge [sflag:s23], $0x1  }
0xa5: {  	[sflag:s23] =	ssyncset.done $0x0  }
0xa6: {  	s25 =	simm.s32 $0x1B8E;
	s24 =	sld [smem:$0x3FFE];
	[sflag:s23] =	ssyncadd.s32 $0xFFFFFFFF  }
0xa7: {  	s26 =	simm.s32 $execute0_lowered;
	[smem:$0x3FD2] =	sst s25  }
0xa8: {  	s7 =	sshll.u32 s26, $0x1;
	_ =	strace $0x80000046;
	[dreg:$0x1] =	wrdreg $0xFFFFFFFF  }
0xa9: {  	s28 =	simm.s32 $_size_execute0_lowered;
	s5 =	sadd.s32 s5, s7;
	[dreg:$0x0] =	wrdreg $0x0  }
0xaa: {  	s7 =	sshll.u32 s28, $0x1;
	[dreg:$0x2] =	wrdreg s5  }
0xab: {  	[dreg:$0x3] =	wrdreg s7  }
0xac: {  	[dreg:$0x4] =	wrdreg $0xC0  }
0xad: {  	_ =	task [dreg:s9], $0x5FFFF  }
0xae: {  	[dreg:$0x1] =	wrdreg $0xFFFFFFFF  }
0xaf: {  	[dreg:$0x0] =	wrdreg $0x60  }
0xb0: {  	[dreg:$0x2] =	wrdreg s2  }
0xb1: {  	[dreg:$0x3] =	wrdreg s24  }
0xb2: {  	[dreg:$0x4] =	wrdreg s18  }
0xb3: {  	[dreg:$0x5] =	wrdreg s4  }
0xb4: {  	[dreg:$0x6] =	wrdreg $0x9  }
0xb5: {  	_ =	task.clear_ibuf [dreg:s9], $0x7FFFF;
	_ =	strace $0x90000046  }
0xb6: {  	s29 =	simm.s32 $0x9;
	_ =	strace $0x80000048  }
0xb7: {  	_ =	swait.ge [sflag:s29], $0x1  }
0xb8: {  	[sflag:s29] =	ssyncadd.s32 $0xFFFFFFFF  }
0xb9: {  	_ =	strace $0x90000048  }
0xba: {  	_ =	sfence  }
0xbb: {  	s30 =	sld [smem:$0x0];
	_ =	sdelay $0x2  }
0xbc: {  	s31 =	sshll.u32 s1, $0xD;
	s1 =	sshrl.u32 s1, $0x2  }
0xbd: {  	s3 =	sand.u32 $0x4000, s31;
	s1 =	sadd.s32 s1, s30  }
0xbe: {  	s0 =	sor.u32 s3, s0;
	s1 =	sshll.u32 s1, $0x11  }
0xbf: {  	s0 =	sor.u32 s1, s0  }
0xc0: {  	s0 =	sadd.s32 $0x8F2B, s0  }
0xc1: {  	[sflag:s0] =	ssyncadd.remote.s32 $0x1  }
0xc2: {  	_ =	sfence.sel $0xFFFF  }
0xc3: {  	[dreg:$0x0] =	wrdreg $0xFFFFFFFF;
	(pc) =	sbr.abs _section_cstart, $3  }
0xc4: {  	[dreg:$0x1] =	wrdreg $0xFFFFFFFF  }
0xc5: {  	_ =	task.clear_ibuf [dreg:s9], $0x2FFFF;
	_ =	strace $0x9FFFFFFF  }
0xc6: {  	(tm) =	ssettm $0x7FFFFFFF  }
0xc7: {  	_ =	shalt  }
tec
execute0_lowered:
.L_overlay_start_1:
0x0: {  	(tag) =	ssettag $0x1  }
0x1: {  	s0 =	rddreg [dreg:$0x0]  }
0x2: {  	s1 =	rddreg [dreg:$0x1]  }
0x3: {  	s3 =	rddreg [dreg:$0x3];
	s2 =	srdreg.scid  }
0x4: {  	s5 =	stileid.u32;
	s4 =	simm.s32 $0x0;
	s30 =	simm.s32 $0x2  }
0x5: {  	s28 =	simm.s32 $0xC200;
	s21 =	simm.s32 $0x3;
	s22 =	simm.s32 $0xD200  }
0x6: {  	s23 =	simm.s32 $0xDA00;
	s9 =	simm.s32 $0xFA00;
	s17 =	simm.s32 $0x10200  }
0x7: {  	s20 =	simm.s32 $0x0;
	s2 =	sand.u32 $0x1, s2;
	s5 =	sshll.u32 s5, $0x1  }
0x8: {  	[smem:$0x7FF] =	sst s4;
	s10 =	sadd.s32 $0x100, s3;
	s11 =	sadd.s32 $0x200, s3  }
0x9: {  	s12 =	sadd.s32 $0x300, s3;
	s13 =	sadd.s32 $0x400, s3;
	s14 =	sadd.s32 $0x500, s3  }
0xa: {  	s15 =	sadd.s32 $0x600, s3;
	s16 =	sadd.s32 $0x700, s3;
	s5 =	sor.u32 s2, s5  }
0xb: {  	_ =	strace $0x80000047;
	s2 =	ssub.s32 $0x2, s2;
	s6 =	sshll.u32 s5, $0x5  }
0xc: {  	s7 =	sshll.u32 s5, $0x9;
	s8 =	sshrl.u32 s2, $0x1;
	s5 =	sshll.u32 s5, $0x10  }
0xd: {  	s6 =	sadd.s32 s6, s1;
	s1 =	sadd.s32 s7, s1;
	s2 =	ssub.s32 s2, s8  }
0xe: {  	v0 =	vimm.s32 $0x0;
	v1 =	vimm.s32 $0x1;
	v2 =	vimm.s32 $0x2;
	s0 =	sadd.s32 s0, s5;
	s5 =	simm.s32 $0xE200;
	s8 =	simm.s32 $0xF200  }
0xf: {  	v3 =	vimm.s32 $0x3;
	v4 =	vimm.s32 $0x4;
	v8 =	vlaneseq.u32;
	s7 =	simm.s32 $0x10A00;
	s1 =	sadd.s32 $0x400, s1;
	[dreg:$0x7] =	wrdreg s0  }
0x10: {  	v5 =	vimm.s32 $0x5;
	v6 =	vimm.s32 $0x6;
	v7 =	vimm.s32 $0x7;
	s25 =	sadd.s32 $0x4400, s6;
	s26 =	sadd.s32 $0x4410, s6;
	[dreg:$0x5] =	wrdreg s1  }
0x11: {  	vm0 =	vmmov $0xffff;
	v10 =	vimm.s32 $0x8;
	v11 =	vimm.s32 $0x9;
	s29 =	sadd.s32 $0x800, s0;
	s31 =	smax.u32 s2, $0x1;
	[dreg:$0x6] =	wrdreg s25  }
0x12: {  	v12 =	vimm.s32 $0xA;
	v13 =	vimm.s32 $0xB;
	v14 =	vimm.s32 $0xC;
	s18 =	sadd.s32 $0x1000, s0;
	s19 =	sadd.s32 $0x1800, s0;
	[dreg:$0x8] =	wrdreg s26  }
0x13: {  	v15 =	vimm.s32 $0xD;
	v16 =	vimm.s32 $0xE;
	v9 =	vshrl.u32 v8, $0x3;
	s2 =	simm.s32 $0xCA00;
	s6 =	simm.s32 $0xEA00;
	[dreg:$0x9] =	wrdreg s29  }
0x14: {  	v17 =	vimm.s32 $0xF;
	v8 =	vand.u32 $0x7, v8;
	v9 =	vmul.u32 $0x8, v9;
	[dreg:$0xa] =	wrdreg s31;
	s25 =	simm.s32 $0xB200;
	s26 =	simm.s32 $0xBA00  }
.LBB2_1:
0x15: {  	[dreg:$0xb] =	wrdreg s20  }
0x16: {  	s0 =	rddreg [dreg:$0x5];
	s1 =	simm.s32 $0x6  }
0x17: {  	[tilespmem:s4], [sflag:$0x6] =	stream.linear.gather [hbm4b:s0+s4], $0x1000, $0x38;
	[tilespmem:$0x11200] =	vst v63  }
0x18: {  	_ =	swait.ge [sflag:s1], $0x1000  }
0x19: {  	[sflag:s1] =	ssyncset.done $0x0  }
0x1a: {  	s31 =	simm.s32 $0x1000;
	s29 =	rddreg [dreg:$0x6];
	[sflag:s1] =	ssyncadd.s32 $0xFFFFF000  }
0x1b: {  	[tilespmem:s31], [sflag:$0x6] =	stream.linear.gather [hbm4b:s29+s4], $0x80, $0x38;
	[tilespmem:$0x11200] =	vst v63  }
0x1c: {  	_ =	swait.ge [sflag:s1], $0x80  }
0x1d: {  	[sflag:s1] =	ssyncset.done $0x0  }
0x1e: {  	s24 =	simm.s32 $0x1080;
	s29 =	rddreg [dreg:$0x8];
	[sflag:s1] =	ssyncadd.s32 $0xFFFFFF80  }
0x1f: {  	[tilespmem:s24], [sflag:$0x6] =	stream.linear.gather [hbm4b:s29+s4], $0x80, $0x38;
	[tilespmem:$0x11200] =	vst v63  }
0x20: {  	_ =	swait.ge [sflag:s1], $0x80  }
0x21: {  	[sflag:s1] =	ssyncset.done $0x0  }
0x22: {  	[sflag:s1] =	ssyncadd.s32 $0xFFFFFF80  }
0x23: {  	s29 =	simm.s32 $0x1100;
	s1 =	simm.s32 $0x80;
	s0 =	rddreg [dreg:$0x2]  }
0x24: {  	[tilespmem:s29], [sflag:$0x1] =	stream.indirect.gather [hbm4b:s0+s1], $0x1, s31, s1, $0xb8;
	[tilespmem:$0x11200] =	vst v63  }
0x25: {  	s31 =	simm.s32 $0x1180  }
0x26: {  	[tilespmem:s31], [sflag:$0x1] =	stream.indirect.gather [hbm4b:s0+s1], $0x1, s24, s1, $0xb8;
	[tilespmem:$0x11200] =	vst v63  }
0x27: {  	s20 =	simm.s32 $0x1200;
	s1 =	rddreg [dreg:$0x7]  }
0x28: {  	[tilespmem:s20], [sflag:$0x2] =	stream.linear.gather [hbm4b:s1+s4], $0x4000, $0x38;
	[tilespmem:$0x11200] =	vst v63  }
0x29: {  	s29 =	simm.s32 $0x5200;
	s24 =	rddreg [dreg:$0x9];
	s31 =	simm.s32 $0x1  }
0x2a: {  	[tilespmem:s29], [sflag:$0x3] =	stream.linear.gather [hbm4b:s24+s4], $0x4000, $0x38;
	[tilespmem:$0x11200] =	vst v63  }
0x2b: {  	_ =	swait.ge [sflag:s31], $0x80  }
0x2c: {  	[sflag:s31] =	ssyncset.done $0x0  }
0x2d: {  	[sflag:s31] =	ssyncadd.s32 $0xFFFFFF80  }
0x2e: {  	_ =	swait.ge [sflag:s31], $0x80  }
0x2f: {  	[sflag:s31] =	ssyncset.done $0x0  }
0x30: {  	s20 =	simm.s32 $0x0;
	[sflag:s31] =	ssyncadd.s32 $0xFFFFFF80  }
.LBB2_2:
0x31: {  	s0 =	sshll.u32 s20, $0x4  }
0x32: {  	s0 =	sand.u32 $0x3FFFFFF0, s0  }
0x33: {  	v18 =	vld [tilespmem:s0+$0x1100];
	_ =	swait.ge [sflag:s30], $0x4000  }
0x34: {  	p0 =	seq.s32 s20, $0x0;
	[sflag:s30] =	ssyncset.done $0x0  }
0x35: {  	s0 =	simm.s32 @!p0 $0x4;
	[sflag:s30] =	ssyncadd.s32 $0xFFFFC000  }
0x36: {  	_ =	swait.ge @!p0 [sflag:s0], $0x4000  }
0x37: {  	[sflag:s0] =	ssyncset.done @!p0 $0x0  }
0x38: {  	s1 =	simm.s32 $0x1240;
	[sflag:s0] =	ssyncadd.s32 @!p0 $0xFFFFC000  }
0x39: {  	v22 =	vld [tilespmem:s1+$0x30]  }
0x3a: {  	v24 =	vld [tilespmem:s1+$0xFFFFFFD0]  }
0x3b: {  	v26 =	vld [tilespmem:s1+$0xFFFFFFE0]  }
0x3c: {  	v19 =	vperm.xlane v18, v0;
	v23 =	vld [tilespmem:s1+$0xFFFFFFF0]  }
0x3d: {  	v21 =	vld [tilespmem:s1+$0x0]  }
0x3e: {  	v20 =	vld [tilespmem:s1+$0x10];
	v27 =	vmul.f32 v22, v19  }
0x3f: {  	s0 =	simm.s32 $0x9240;
	v22 =	vld [tilespmem:s1+$0x20];
	v25 =	vmul.f32 v24, v19  }
0x40: {  	s31 =	sshll.u32 s20, $0xA;
	s29 =	simm.s32 $0x0;
	v24 =	vld [tilespmem:s1+$0xFFFFFFC0];
	v26 =	vmul.f32 v26, v19;
	s1 =	simm.s32 $0x1640;
	[tilespmem:s0+$0x30] =	vst v27  }
.LBB2_3:
0x41: {  	v27 =	vld [tilespmem:s1+$0x30];
	s29 =	sadd.s32 $0x8, s29;
	[tilespmem:s0+$0xFFFFFFD0] =	vst v25;
	v23 =	vmul.f32 v23, v19  }
0x42: {  	v25 =	vld [tilespmem:s1+$0xFFFFFFD0];
	p1 =	slt.u32 s29, $0x78;
	[tilespmem:s0+$0xFFFFFFE0] =	vst v26;
	v21 =	vmul.f32 v21, v19  }
0x43: {  	v26 =	vld [tilespmem:s1+$0xFFFFFFE0];
	[tilespmem:s0+$0xFFFFFFF0] =	vst v23;
	v20 =	vmul.f32 v20, v19  }
.Ltmp0:
0x44: {  	v23 =	vld [tilespmem:s1+$0xFFFFFFF0];
	[tilespmem:s0+$0x0] =	vst v21;
	v22 =	vmul.f32 v22, v19;
	(pc) =	sbr.rel @p1 .LBB2_3-.Ltmp0, $4  }
0x45: {  	v21 =	vld [tilespmem:s1+$0x0];
	v24 =	vmul.f32 v24, v19;
	[tilespmem:s0+$0x10] =	vst v20  }
0x46: {  	v20 =	vld [tilespmem:s1+$0x10];
	v27 =	vmul.f32 v27, v19;
	[tilespmem:s0+$0x20] =	vst v22  }
0x47: {  	v25 =	vmul.f32 v25, v19;
	v22 =	vld [tilespmem:s1+$0x20];
	[tilespmem:s0+$0xFFFFFFC0] =	vst v24;
	s0 =	sadd.s32 $0x400, s0  }
0x48: {  	v24 =	vld [tilespmem:s1+$0xFFFFFFC0];
	v26 =	vmul.f32 v26, v19;
	[tilespmem:s0+$0x30] =	vst v27;
	s1 =	sadd.s32 $0x400, s1  }
0x49: {  	[tilespmem:s0+$0xFFFFFFD0] =	vst v25;
	v23 =	vmul.f32 v23, v19  }
0x4a: {  	[tilespmem:s0+$0xFFFFFFE0] =	vst v26;
	v21 =	vmul.f32 v21, v19  }
0x4b: {  	[tilespmem:s0+$0xFFFFFFF0] =	vst v23;
	v20 =	vmul.f32 v20, v19  }
0x4c: {  	[tilespmem:s0+$0x0] =	vst v21;
	v21 =	vmul.f32 v22, v19  }
0x4d: {  	v19 =	vmul.f32 v24, v19;
	[tilespmem:s0+$0x10] =	vst v20  }
0x4e: {  	[tilespmem:s0+$0x20] =	vst v21  }
0x4f: {  	s1 =	simm.s32 $0x12F0;
	[tilespmem:s0+$0xFFFFFFC0] =	vst v19  }
0x50: {  	v22 =	vld [tilespmem:s1+$0x0]  }
0x51: {  	v24 =	vld [tilespmem:s1+$0xFFFFFFA0]  }
0x52: {  	v26 =	vld [tilespmem:s1+$0xFFFFFFB0]  }
0x53: {  	v19 =	vperm.xlane v18, v1;
	v23 =	vld [tilespmem:s1+$0xFFFFFFC0]  }
0x54: {  	v21 =	vld [tilespmem:s1+$0xFFFFFFD0]  }
0x55: {  	v20 =	vld [tilespmem:s1+$0xFFFFFFE0];
	v27 =	vmul.f32 v22, v19  }
0x56: {  	s0 =	simm.s32 $0x92F0;
	v22 =	vld [tilespmem:s1+$0xFFFFFFF0];
	v25 =	vmul.f32 v24, v19  }
0x57: {  	s29 =	simm.s32 $0x0;
	v24 =	vld [tilespmem:s1+$0xFFFFFF90];
	v26 =	vmul.f32 v26, v19;
	s1 =	simm.s32 $0x16F0;
	[tilespmem:s0+$0x0] =	vst v27  }
.LBB2_5:
0x58: {  	v27 =	vld [tilespmem:s1+$0x0];
	s29 =	sadd.s32 $0x8, s29;
	[tilespmem:s0+$0xFFFFFFA0] =	vst v25;
	v23 =	vmul.f32 v23, v19  }
0x59: {  	v25 =	vld [tilespmem:s1+$0xFFFFFFA0];
	p1 =	slt.u32 s29, $0x78;
	[tilespmem:s0+$0xFFFFFFB0] =	vst v26;
	v21 =	vmul.f32 v21, v19  }
0x5a: {  	v26 =	vld [tilespmem:s1+$0xFFFFFFB0];
	[tilespmem:s0+$0xFFFFFFC0] =	vst v23;
	v20 =	vmul.f32 v20, v19  }
.Ltmp1:
0x5b: {  	v23 =	vld [tilespmem:s1+$0xFFFFFFC0];
	[tilespmem:s0+$0xFFFFFFD0] =	vst v21;
	v22 =	vmul.f32 v22, v19;
	(pc) =	sbr.rel @p1 .LBB2_5-.Ltmp1, $4  }
0x5c: {  	v21 =	vld [tilespmem:s1+$0xFFFFFFD0];
	v24 =	vmul.f32 v24, v19;
	[tilespmem:s0+$0xFFFFFFE0] =	vst v20  }
0x5d: {  	v20 =	vld [tilespmem:s1+$0xFFFFFFE0];
	v27 =	vmul.f32 v27, v19;
	[tilespmem:s0+$0xFFFFFFF0] =	vst v22  }
0x5e: {  	v25 =	vmul.f32 v25, v19;
	v22 =	vld [tilespmem:s1+$0xFFFFFFF0];
	[tilespmem:s0+$0xFFFFFF90] =	vst v24;
	s0 =	sadd.s32 $0x400, s0  }
0x5f: {  	v24 =	vld [tilespmem:s1+$0xFFFFFF90];
	v26 =	vmul.f32 v26, v19;
	[tilespmem:s0+$0x0] =	vst v27;
	s1 =	sadd.s32 $0x400, s1  }
0x60: {  	[tilespmem:s0+$0xFFFFFFA0] =	vst v25;
	v23 =	vmul.f32 v23, v19  }
0x61: {  	[tilespmem:s0+$0xFFFFFFB0] =	vst v26;
	v21 =	vmul.f32 v21, v19  }
0x62: {  	[tilespmem:s0+$0xFFFFFFC0] =	vst v23;
	v20 =	vmul.f32 v20, v19  }
0x63: {  	[tilespmem:s0+$0xFFFFFFD0] =	vst v21;
	v21 =	vmul.f32 v22, v19  }
0x64: {  	v19 =	vmul.f32 v24, v19;
	[tilespmem:s0+$0xFFFFFFE0] =	vst v20  }
0x65: {  	[tilespmem:s0+$0xFFFFFFF0] =	vst v21  }
0x66: {  	s1 =	simm.s32 $0x1370;
	[tilespmem:s0+$0xFFFFFF90] =	vst v19  }
0x67: {  	v22 =	vld [tilespmem:s1+$0x0]  }
0x68: {  	v24 =	vld [tilespmem:s1+$0xFFFFFFA0]  }
0x69: {  	v26 =	vld [tilespmem:s1+$0xFFFFFFB0]  }
0x6a: {  	v19 =	vperm.xlane v18, v2;
	v23 =	vld [tilespmem:s1+$0xFFFFFFC0]  }
0x6b: {  	v21 =	vld [tilespmem:s1+$0xFFFFFFD0]  }
0x6c: {  	v20 =	vld [tilespmem:s1+$0xFFFFFFE0];
	v27 =	vmul.f32 v22, v19  }
0x6d: {  	s0 =	simm.s32 $0x9370;
	v22 =	vld [tilespmem:s1+$0xFFFFFFF0];
	v25 =	vmul.f32 v24, v19  }
0x6e: {  	s29 =	simm.s32 $0x0;
	v24 =	vld [tilespmem:s1+$0xFFFFFF90];
	v26 =	vmul.f32 v26, v19;
	s1 =	simm.s32 $0x1770;
	[tilespmem:s0+$0x0] =	vst v27  }
.LBB2_7:
0x6f: {  	v27 =	vld [tilespmem:s1+$0x0];
	s29 =	sadd.s32 $0x8, s29;
	[tilespmem:s0+$0xFFFFFFA0] =	vst v25;
	v23 =	vmul.f32 v23, v19  }
0x70: {  	v25 =	vld [tilespmem:s1+$0xFFFFFFA0];
	p1 =	slt.u32 s29, $0x78;
	[tilespmem:s0+$0xFFFFFFB0] =	vst v26;
	v21 =	vmul.f32 v21, v19  }
0x71: {  	v26 =	vld [tilespmem:s1+$0xFFFFFFB0];
	[tilespmem:s0+$0xFFFFFFC0] =	vst v23;
	v20 =	vmul.f32 v20, v19  }
.Ltmp2:
0x72: {  	v23 =	vld [tilespmem:s1+$0xFFFFFFC0];
	[tilespmem:s0+$0xFFFFFFD0] =	vst v21;
	v22 =	vmul.f32 v22, v19;
	(pc) =	sbr.rel @p1 .LBB2_7-.Ltmp2, $4  }
0x73: {  	v21 =	vld [tilespmem:s1+$0xFFFFFFD0];
	v24 =	vmul.f32 v24, v19;
	[tilespmem:s0+$0xFFFFFFE0] =	vst v20  }
0x74: {  	v20 =	vld [tilespmem:s1+$0xFFFFFFE0];
	v27 =	vmul.f32 v27, v19;
	[tilespmem:s0+$0xFFFFFFF0] =	vst v22  }
0x75: {  	v25 =	vmul.f32 v25, v19;
	v22 =	vld [tilespmem:s1+$0xFFFFFFF0];
	[tilespmem:s0+$0xFFFFFF90] =	vst v24;
	s0 =	sadd.s32 $0x400, s0  }
0x76: {  	v24 =	vld [tilespmem:s1+$0xFFFFFF90];
	v26 =	vmul.f32 v26, v19;
	[tilespmem:s0+$0x0] =	vst v27;
	s1 =	sadd.s32 $0x400, s1  }
0x77: {  	[tilespmem:s0+$0xFFFFFFA0] =	vst v25;
	v23 =	vmul.f32 v23, v19  }
0x78: {  	[tilespmem:s0+$0xFFFFFFB0] =	vst v26;
	v21 =	vmul.f32 v21, v19  }
0x79: {  	[tilespmem:s0+$0xFFFFFFC0] =	vst v23;
	v20 =	vmul.f32 v20, v19  }
0x7a: {  	[tilespmem:s0+$0xFFFFFFD0] =	vst v21;
	v21 =	vmul.f32 v22, v19  }
0x7b: {  	v19 =	vmul.f32 v24, v19;
	[tilespmem:s0+$0xFFFFFFE0] =	vst v20  }
0x7c: {  	[tilespmem:s0+$0xFFFFFFF0] =	vst v21  }
0x7d: {  	s1 =	simm.s32 $0x13F0;
	[tilespmem:s0+$0xFFFFFF90] =	vst v19  }
0x7e: {  	v22 =	vld [tilespmem:s1+$0x0]  }
0x7f: {  	v24 =	vld [tilespmem:s1+$0xFFFFFFA0]  }
0x80: {  	v26 =	vld [tilespmem:s1+$0xFFFFFFB0]  }
0x81: {  	v19 =	vperm.xlane v18, v3;
	v23 =	vld [tilespmem:s1+$0xFFFFFFC0]  }
0x82: {  	v21 =	vld [tilespmem:s1+$0xFFFFFFD0]  }
0x83: {  	v20 =	vld [tilespmem:s1+$0xFFFFFFE0];
	v27 =	vmul.f32 v22, v19  }
0x84: {  	s0 =	simm.s32 $0x93F0;
	v22 =	vld [tilespmem:s1+$0xFFFFFFF0];
	v25 =	vmul.f32 v24, v19  }
0x85: {  	s29 =	simm.s32 $0x0;
	v24 =	vld [tilespmem:s1+$0xFFFFFF90];
	v26 =	vmul.f32 v26, v19;
	s1 =	simm.s32 $0x17F0;
	[tilespmem:s0+$0x0] =	vst v27  }
.LBB2_9:
0x86: {  	v27 =	vld [tilespmem:s1+$0x0];
	s29 =	sadd.s32 $0x8, s29;
	[tilespmem:s0+$0xFFFFFFA0] =	vst v25;
	v23 =	vmul.f32 v23, v19  }
0x87: {  	v25 =	vld [tilespmem:s1+$0xFFFFFFA0];
	p1 =	slt.u32 s29, $0x78;
	[tilespmem:s0+$0xFFFFFFB0] =	vst v26;
	v21 =	vmul.f32 v21, v19  }
0x88: {  	v26 =	vld [tilespmem:s1+$0xFFFFFFB0];
	[tilespmem:s0+$0xFFFFFFC0] =	vst v23;
	v20 =	vmul.f32 v20, v19  }
.Ltmp3:
0x89: {  	v23 =	vld [tilespmem:s1+$0xFFFFFFC0];
	[tilespmem:s0+$0xFFFFFFD0] =	vst v21;
	v22 =	vmul.f32 v22, v19;
	(pc) =	sbr.rel @p1 .LBB2_9-.Ltmp3, $4  }
0x8a: {  	v21 =	vld [tilespmem:s1+$0xFFFFFFD0];
	v24 =	vmul.f32 v24, v19;
	[tilespmem:s0+$0xFFFFFFE0] =	vst v20  }
0x8b: {  	v20 =	vld [tilespmem:s1+$0xFFFFFFE0];
	v27 =	vmul.f32 v27, v19;
	[tilespmem:s0+$0xFFFFFFF0] =	vst v22  }
0x8c: {  	v25 =	vmul.f32 v25, v19;
	v22 =	vld [tilespmem:s1+$0xFFFFFFF0];
	[tilespmem:s0+$0xFFFFFF90] =	vst v24;
	s0 =	sadd.s32 $0x400, s0  }
0x8d: {  	v24 =	vld [tilespmem:s1+$0xFFFFFF90];
	v26 =	vmul.f32 v26, v19;
	[tilespmem:s0+$0x0] =	vst v27;
	s1 =	sadd.s32 $0x400, s1  }
0x8e: {  	[tilespmem:s0+$0xFFFFFFA0] =	vst v25;
	v23 =	vmul.f32 v23, v19  }
0x8f: {  	[tilespmem:s0+$0xFFFFFFB0] =	vst v26;
	v21 =	vmul.f32 v21, v19  }
0x90: {  	[tilespmem:s0+$0xFFFFFFC0] =	vst v23;
	v20 =	vmul.f32 v20, v19  }
0x91: {  	[tilespmem:s0+$0xFFFFFFD0] =	vst v21;
	v21 =	vmul.f32 v22, v19  }
0x92: {  	v19 =	vmul.f32 v24, v19;
	[tilespmem:s0+$0xFFFFFFE0] =	vst v20  }
0x93: {  	[tilespmem:s0+$0xFFFFFFF0] =	vst v21  }
0x94: {  	s1 =	simm.s32 $0x1470;
	[tilespmem:s0+$0xFFFFFF90] =	vst v19  }
0x95: {  	v22 =	vld [tilespmem:s1+$0x0]  }
0x96: {  	v24 =	vld [tilespmem:s1+$0xFFFFFFA0]  }
0x97: {  	v26 =	vld [tilespmem:s1+$0xFFFFFFB0]  }
0x98: {  	v19 =	vperm.xlane v18, v4;
	v23 =	vld [tilespmem:s1+$0xFFFFFFC0]  }
0x99: {  	v21 =	vld [tilespmem:s1+$0xFFFFFFD0]  }
0x9a: {  	v20 =	vld [tilespmem:s1+$0xFFFFFFE0];
	v27 =	vmul.f32 v22, v19  }
0x9b: {  	s0 =	simm.s32 $0x9470;
	v22 =	vld [tilespmem:s1+$0xFFFFFFF0];
	v25 =	vmul.f32 v24, v19  }
0x9c: {  	s29 =	simm.s32 $0x0;
	v24 =	vld [tilespmem:s1+$0xFFFFFF90];
	v26 =	vmul.f32 v26, v19;
	s1 =	simm.s32 $0x1870;
	[tilespmem:s0+$0x0] =	vst v27  }
.LBB2_11:
0x9d: {  	v27 =	vld [tilespmem:s1+$0x0];
	s29 =	sadd.s32 $0x8, s29;
	[tilespmem:s0+$0xFFFFFFA0] =	vst v25;
	v23 =	vmul.f32 v23, v19  }
0x9e: {  	v25 =	vld [tilespmem:s1+$0xFFFFFFA0];
	p1 =	slt.u32 s29, $0x78;
	[tilespmem:s0+$0xFFFFFFB0] =	vst v26;
	v21 =	vmul.f32 v21, v19  }
0x9f: {  	v26 =	vld [tilespmem:s1+$0xFFFFFFB0];
	[tilespmem:s0+$0xFFFFFFC0] =	vst v23;
	v20 =	vmul.f32 v20, v19  }
.Ltmp4:
0xa0: {  	v23 =	vld [tilespmem:s1+$0xFFFFFFC0];
	[tilespmem:s0+$0xFFFFFFD0] =	vst v21;
	v22 =	vmul.f32 v22, v19;
	(pc) =	sbr.rel @p1 .LBB2_11-.Ltmp4, $4  }
0xa1: {  	v21 =	vld [tilespmem:s1+$0xFFFFFFD0];
	v24 =	vmul.f32 v24, v19;
	[tilespmem:s0+$0xFFFFFFE0] =	vst v20  }
0xa2: {  	v20 =	vld [tilespmem:s1+$0xFFFFFFE0];
	v27 =	vmul.f32 v27, v19;
	[tilespmem:s0+$0xFFFFFFF0] =	vst v22  }
0xa3: {  	v25 =	vmul.f32 v25, v19;
	v22 =	vld [tilespmem:s1+$0xFFFFFFF0];
	[tilespmem:s0+$0xFFFFFF90] =	vst v24;
	s0 =	sadd.s32 $0x400, s0  }
0xa4: {  	v24 =	vld [tilespmem:s1+$0xFFFFFF90];
	v26 =	vmul.f32 v26, v19;
	[tilespmem:s0+$0x0] =	vst v27;
	s1 =	sadd.s32 $0x400, s1  }
0xa5: {  	[tilespmem:s0+$0xFFFFFFA0] =	vst v25;
	v23 =	vmul.f32 v23, v19  }
0xa6: {  	[tilespmem:s0+$0xFFFFFFB0] =	vst v26;
	v21 =	vmul.f32 v21, v19  }
0xa7: {  	[tilespmem:s0+$0xFFFFFFC0] =	vst v23;
	v20 =	vmul.f32 v20, v19  }
0xa8: {  	[tilespmem:s0+$0xFFFFFFD0] =	vst v21;
	v21 =	vmul.f32 v22, v19  }
0xa9: {  	v19 =	vmul.f32 v24, v19;
	[tilespmem:s0+$0xFFFFFFE0] =	vst v20  }
0xaa: {  	[tilespmem:s0+$0xFFFFFFF0] =	vst v21  }
0xab: {  	s1 =	simm.s32 $0x14F0;
	[tilespmem:s0+$0xFFFFFF90] =	vst v19  }
0xac: {  	v22 =	vld [tilespmem:s1+$0x0]  }
0xad: {  	v24 =	vld [tilespmem:s1+$0xFFFFFFA0]  }
0xae: {  	v26 =	vld [tilespmem:s1+$0xFFFFFFB0]  }
0xaf: {  	v19 =	vperm.xlane v18, v5;
	v23 =	vld [tilespmem:s1+$0xFFFFFFC0]  }
0xb0: {  	v21 =	vld [tilespmem:s1+$0xFFFFFFD0]  }
0xb1: {  	v20 =	vld [tilespmem:s1+$0xFFFFFFE0];
	v27 =	vmul.f32 v22, v19  }
0xb2: {  	s0 =	simm.s32 $0x94F0;
	v22 =	vld [tilespmem:s1+$0xFFFFFFF0];
	v25 =	vmul.f32 v24, v19  }
0xb3: {  	s29 =	simm.s32 $0x0;
	v24 =	vld [tilespmem:s1+$0xFFFFFF90];
	v26 =	vmul.f32 v26, v19;
	s1 =	simm.s32 $0x18F0;
	[tilespmem:s0+$0x0] =	vst v27  }
.LBB2_13:
0xb4: {  	v27 =	vld [tilespmem:s1+$0x0];
	s29 =	sadd.s32 $0x8, s29;
	[tilespmem:s0+$0xFFFFFFA0] =	vst v25;
	v23 =	vmul.f32 v23, v19  }
0xb5: {  	v25 =	vld [tilespmem:s1+$0xFFFFFFA0];
	p1 =	slt.u32 s29, $0x78;
	[tilespmem:s0+$0xFFFFFFB0] =	vst v26;
	v21 =	vmul.f32 v21, v19  }
0xb6: {  	v26 =	vld [tilespmem:s1+$0xFFFFFFB0];
	[tilespmem:s0+$0xFFFFFFC0] =	vst v23;
	v20 =	vmul.f32 v20, v19  }
.Ltmp5:
0xb7: {  	v23 =	vld [tilespmem:s1+$0xFFFFFFC0];
	[tilespmem:s0+$0xFFFFFFD0] =	vst v21;
	v22 =	vmul.f32 v22, v19;
	(pc) =	sbr.rel @p1 .LBB2_13-.Ltmp5, $4  }
0xb8: {  	v21 =	vld [tilespmem:s1+$0xFFFFFFD0];
	v24 =	vmul.f32 v24, v19;
	[tilespmem:s0+$0xFFFFFFE0] =	vst v20  }
0xb9: {  	v20 =	vld [tilespmem:s1+$0xFFFFFFE0];
	v27 =	vmul.f32 v27, v19;
	[tilespmem:s0+$0xFFFFFFF0] =	vst v22  }
0xba: {  	v25 =	vmul.f32 v25, v19;
	v22 =	vld [tilespmem:s1+$0xFFFFFFF0];
	[tilespmem:s0+$0xFFFFFF90] =	vst v24;
	s0 =	sadd.s32 $0x400, s0  }
0xbb: {  	v24 =	vld [tilespmem:s1+$0xFFFFFF90];
	v26 =	vmul.f32 v26, v19;
	[tilespmem:s0+$0x0] =	vst v27;
	s1 =	sadd.s32 $0x400, s1  }
0xbc: {  	[tilespmem:s0+$0xFFFFFFA0] =	vst v25;
	v23 =	vmul.f32 v23, v19  }
0xbd: {  	[tilespmem:s0+$0xFFFFFFB0] =	vst v26;
	v21 =	vmul.f32 v21, v19  }
0xbe: {  	[tilespmem:s0+$0xFFFFFFC0] =	vst v23;
	v20 =	vmul.f32 v20, v19  }
0xbf: {  	[tilespmem:s0+$0xFFFFFFD0] =	vst v21;
	v21 =	vmul.f32 v22, v19  }
0xc0: {  	v19 =	vmul.f32 v24, v19;
	[tilespmem:s0+$0xFFFFFFE0] =	vst v20  }
0xc1: {  	[tilespmem:s0+$0xFFFFFFF0] =	vst v21  }
0xc2: {  	s1 =	simm.s32 $0x1570;
	[tilespmem:s0+$0xFFFFFF90] =	vst v19  }
0xc3: {  	v22 =	vld [tilespmem:s1+$0x0]  }
0xc4: {  	v24 =	vld [tilespmem:s1+$0xFFFFFFA0]  }
0xc5: {  	v26 =	vld [tilespmem:s1+$0xFFFFFFB0]  }
0xc6: {  	v19 =	vperm.xlane v18, v6;
	v23 =	vld [tilespmem:s1+$0xFFFFFFC0]  }
0xc7: {  	v21 =	vld [tilespmem:s1+$0xFFFFFFD0]  }
0xc8: {  	v20 =	vld [tilespmem:s1+$0xFFFFFFE0];
	v27 =	vmul.f32 v22, v19  }
0xc9: {  	s0 =	simm.s32 $0x9570;
	v22 =	vld [tilespmem:s1+$0xFFFFFFF0];
	v25 =	vmul.f32 v24, v19  }
0xca: {  	s29 =	simm.s32 $0x0;
	v24 =	vld [tilespmem:s1+$0xFFFFFF90];
	v26 =	vmul.f32 v26, v19;
	s1 =	simm.s32 $0x1970;
	[tilespmem:s0+$0x0] =	vst v27  }
.LBB2_15:
0xcb: {  	v27 =	vld [tilespmem:s1+$0x0];
	s29 =	sadd.s32 $0x8, s29;
	[tilespmem:s0+$0xFFFFFFA0] =	vst v25;
	v23 =	vmul.f32 v23, v19  }
0xcc: {  	v25 =	vld [tilespmem:s1+$0xFFFFFFA0];
	p1 =	slt.u32 s29, $0x78;
	[tilespmem:s0+$0xFFFFFFB0] =	vst v26;
	v21 =	vmul.f32 v21, v19  }
0xcd: {  	v26 =	vld [tilespmem:s1+$0xFFFFFFB0];
	[tilespmem:s0+$0xFFFFFFC0] =	vst v23;
	v20 =	vmul.f32 v20, v19  }
.Ltmp6:
0xce: {  	v23 =	vld [tilespmem:s1+$0xFFFFFFC0];
	[tilespmem:s0+$0xFFFFFFD0] =	vst v21;
	v22 =	vmul.f32 v22, v19;
	(pc) =	sbr.rel @p1 .LBB2_15-.Ltmp6, $4  }
0xcf: {  	v21 =	vld [tilespmem:s1+$0xFFFFFFD0];
	v24 =	vmul.f32 v24, v19;
	[tilespmem:s0+$0xFFFFFFE0] =	vst v20  }
0xd0: {  	v20 =	vld [tilespmem:s1+$0xFFFFFFE0];
	v27 =	vmul.f32 v27, v19;
	[tilespmem:s0+$0xFFFFFFF0] =	vst v22  }
0xd1: {  	v25 =	vmul.f32 v25, v19;
	v22 =	vld [tilespmem:s1+$0xFFFFFFF0];
	[tilespmem:s0+$0xFFFFFF90] =	vst v24;
	s0 =	sadd.s32 $0x400, s0  }
0xd2: {  	v24 =	vld [tilespmem:s1+$0xFFFFFF90];
	v26 =	vmul.f32 v26, v19;
	[tilespmem:s0+$0x0] =	vst v27;
	s1 =	sadd.s32 $0x400, s1  }
0xd3: {  	[tilespmem:s0+$0xFFFFFFA0] =	vst v25;
	v23 =	vmul.f32 v23, v19  }
0xd4: {  	[tilespmem:s0+$0xFFFFFFB0] =	vst v26;
	v21 =	vmul.f32 v21, v19  }
0xd5: {  	[tilespmem:s0+$0xFFFFFFC0] =	vst v23;
	v20 =	vmul.f32 v20, v19  }
0xd6: {  	[tilespmem:s0+$0xFFFFFFD0] =	vst v21;
	v21 =	vmul.f32 v22, v19  }
0xd7: {  	v19 =	vmul.f32 v24, v19;
	[tilespmem:s0+$0xFFFFFFE0] =	vst v20  }
0xd8: {  	[tilespmem:s0+$0xFFFFFFF0] =	vst v21  }
0xd9: {  	s1 =	simm.s32 $0x15F0;
	[tilespmem:s0+$0xFFFFFF90] =	vst v19  }
0xda: {  	v22 =	vld [tilespmem:s1+$0x0]  }
0xdb: {  	v24 =	vld [tilespmem:s1+$0xFFFFFFA0]  }
0xdc: {  	v26 =	vld [tilespmem:s1+$0xFFFFFFB0]  }
0xdd: {  	v19 =	vperm.xlane v18, v7;
	v23 =	vld [tilespmem:s1+$0xFFFFFFC0]  }
0xde: {  	v21 =	vld [tilespmem:s1+$0xFFFFFFD0]  }
0xdf: {  	v20 =	vld [tilespmem:s1+$0xFFFFFFE0];
	v27 =	vmul.f32 v22, v19  }
0xe0: {  	s0 =	simm.s32 $0x95F0;
	v22 =	vld [tilespmem:s1+$0xFFFFFFF0];
	v25 =	vmul.f32 v24, v19  }
0xe1: {  	s29 =	simm.s32 $0x0;
	v24 =	vld [tilespmem:s1+$0xFFFFFF90];
	v26 =	vmul.f32 v26, v19;
	s1 =	simm.s32 $0x19F0;
	[tilespmem:s0+$0x0] =	vst v27  }
.LBB2_17:
0xe2: {  	v27 =	vld [tilespmem:s1+$0x0];
	s29 =	sadd.s32 $0x8, s29;
	[tilespmem:s0+$0xFFFFFFA0] =	vst v25;
	v23 =	vmul.f32 v23, v19  }
0xe3: {  	v25 =	vld [tilespmem:s1+$0xFFFFFFA0];
	p1 =	slt.u32 s29, $0x78;
	[tilespmem:s0+$0xFFFFFFB0] =	vst v26;
	v21 =	vmul.f32 v21, v19  }
0xe4: {  	v26 =	vld [tilespmem:s1+$0xFFFFFFB0];
	[tilespmem:s0+$0xFFFFFFC0] =	vst v23;
	v20 =	vmul.f32 v20, v19  }
.Ltmp7:
0xe5: {  	v23 =	vld [tilespmem:s1+$0xFFFFFFC0];
	[tilespmem:s0+$0xFFFFFFD0] =	vst v21;
	v22 =	vmul.f32 v22, v19;
	(pc) =	sbr.rel @p1 .LBB2_17-.Ltmp7, $4  }
0xe6: {  	v21 =	vld [tilespmem:s1+$0xFFFFFFD0];
	v24 =	vmul.f32 v24, v19;
	[tilespmem:s0+$0xFFFFFFE0] =	vst v20  }
0xe7: {  	v20 =	vld [tilespmem:s1+$0xFFFFFFE0];
	v27 =	vmul.f32 v27, v19;
	[tilespmem:s0+$0xFFFFFFF0] =	vst v22  }
0xe8: {  	v25 =	vmul.f32 v25, v19;
	v22 =	vld [tilespmem:s1+$0xFFFFFFF0];
	[tilespmem:s0+$0xFFFFFF90] =	vst v24;
	s0 =	sadd.s32 $0x400, s0  }
0xe9: {  	v24 =	vld [tilespmem:s1+$0xFFFFFF90];
	v26 =	vmul.f32 v26, v19;
	[tilespmem:s0+$0x0] =	vst v27;
	s1 =	sadd.s32 $0x400, s1  }
0xea: {  	[tilespmem:s0+$0xFFFFFFA0] =	vst v25;
	v23 =	vmul.f32 v23, v19  }
0xeb: {  	[tilespmem:s0+$0xFFFFFFB0] =	vst v26;
	v21 =	vmul.f32 v21, v19  }
0xec: {  	[tilespmem:s0+$0xFFFFFFC0] =	vst v23;
	v20 =	vmul.f32 v20, v19  }
0xed: {  	[tilespmem:s0+$0xFFFFFFD0] =	vst v21;
	v21 =	vmul.f32 v22, v19  }
0xee: {  	p1 =	seq.s32 s20, $0xF;
	v19 =	vmul.f32 v24, v19;
	[tilespmem:s0+$0xFFFFFFE0] =	vst v20  }
0xef: {  	s31 =	sshrl.u32 s31, $0x2;
	s29 =	sshll.u32 @!p1 s20, $0xC;
	[tilespmem:s0+$0xFFFFFFF0] =	vst v21  }
0xf0: {  	s1 =	simm.s32 @!p1 $0x0;
	s24 =	simm.s32 @!p1 $0x1200;
	[tilespmem:s0+$0xFFFFFF90] =	vst v19;
	s0 =	sadd.s32 @!p1 s18, s29  }
0xf1: {  	[tilespmem:s24], [sflag:$0x2] =	stream.linear.gather @!p1 [hbm4b:s0+s1], $0x4000, $0x38;
	[tilespmem:$0x11200] =	vst v63  }
0xf2: {  	v19 =	vld.msk [tilespmem:s31+$0x0], $0xff;
	_ =	sdelay $0x4  }
0xf3: {  	v20 =	vshll.u32 v19, $0x4  }
0xf4: {  	v19 =	vand.u32 $0x7, v19;
	v20 =	vand.u32 $0xFFFFFF80, v20  }
0xf5: {  	v19 =	vor.u32 v19, v20  }
0xf6: {  	v19 =	vperm.xlane v19, v8;
	_ =	sdelay $0x1  }
0xf7: {  	v19 =	vadd.s32 v9, v19;
	_ =	sdelay $0x3  }
0xf8: {  	s1 =	simm.s32 $0x9200  }
0xf9: {  	[hbm4b:s3+s4] =	stream.indirect_vreg.scatter [tilespmem:s1], [sflag:$0x4], $0x80, v19, vm0, $0xb8;
	[tilespmem:$0x11200] =	vst v63  }
0xfa: {  	s24 =	simm.s32 $0x9A00  }
0xfb: {  	[hbm4b:s10+s4] =	stream.indirect_vreg.scatter [tilespmem:s24], [sflag:$0x4], $0x80, v19, vm0, $0xb8;
	[tilespmem:$0x11200] =	vst v63  }
0xfc: {  	s1 =	simm.s32 $0xA200  }
0xfd: {  	[hbm4b:s11+s4] =	stream.indirect_vreg.scatter [tilespmem:s1], [sflag:$0x4], $0x80, v19, vm0, $0xb8;
	[tilespmem:$0x11200] =	vst v63  }
0xfe: {  	s24 =	simm.s32 $0xAA00  }
0xff: {  	[hbm4b:s12+s4] =	stream.indirect_vreg.scatter [tilespmem:s24], [sflag:$0x4], $0x80, v19, vm0, $0xb8;
	[tilespmem:$0x11200] =	vst v63  }
0x100: {  	_ = 	snop  }
0x101: {  	[hbm4b:s13+s4] =	stream.indirect_vreg.scatter [tilespmem:s25], [sflag:$0x4], $0x80, v19, vm0, $0xb8;
	[tilespmem:$0x11200] =	vst v63  }
0x102: {  	_ = 	snop  }
0x103: {  	[hbm4b:s14+s4] =	stream.indirect_vreg.scatter [tilespmem:s26], [sflag:$0x4], $0x80, v19, vm0, $0xb8;
	[tilespmem:$0x11200] =	vst v63  }
0x104: {  	_ = 	snop  }
0x105: {  	[hbm4b:s15+s4] =	stream.indirect_vreg.scatter [tilespmem:s28], [sflag:$0x4], $0x80, v19, vm0, $0xb8;
	[tilespmem:$0x11200] =	vst v63  }
0x106: {  	_ = 	snop  }
0x107: {  	[hbm4b:s16+s4] =	stream.indirect_vreg.scatter [tilespmem:s2], [sflag:$0x4], $0x80, v19, vm0, $0xb8;
	[tilespmem:$0x11200] =	vst v63  }
0x108: {  	_ =	swait.ge [sflag:s21], $0x4000  }
0x109: {  	[sflag:s21] =	ssyncset.done $0x0  }
0x10a: {  	s0 =	simm.s32 @!p0 $0x5;
	[sflag:s21] =	ssyncadd.s32 $0xFFFFC000  }
0x10b: {  	_ =	swait.ge @!p0 [sflag:s0], $0x4000  }
0x10c: {  	[sflag:s0] =	ssyncset.done @!p0 $0x0  }
0x10d: {  	s24 =	simm.s32 $0x5240;
	[sflag:s0] =	ssyncadd.s32 @!p0 $0xFFFFC000  }
0x10e: {  	v22 =	vld [tilespmem:s24+$0x30]  }
0x10f: {  	v24 =	vld [tilespmem:s24+$0xFFFFFFD0]  }
0x110: {  	v26 =	vld [tilespmem:s24+$0xFFFFFFE0]  }
0x111: {  	v19 =	vperm.xlane v18, v10;
	v23 =	vld [tilespmem:s24+$0xFFFFFFF0]  }
0x112: {  	v21 =	vld [tilespmem:s24+$0x0]  }
0x113: {  	v20 =	vld [tilespmem:s24+$0x10];
	v27 =	vmul.f32 v22, v19  }
0x114: {  	s0 =	simm.s32 $0xD240;
	v22 =	vld [tilespmem:s24+$0x20];
	v25 =	vmul.f32 v24, v19  }
0x115: {  	s1 =	simm.s32 $0x0;
	v24 =	vld [tilespmem:s24+$0xFFFFFFC0];
	v26 =	vmul.f32 v26, v19;
	s24 =	simm.s32 $0x5640;
	[tilespmem:s0+$0x30] =	vst v27  }
.LBB2_19:
0x116: {  	v27 =	vld [tilespmem:s24+$0x30];
	s1 =	sadd.s32 $0x8, s1;
	[tilespmem:s0+$0xFFFFFFD0] =	vst v25;
	v23 =	vmul.f32 v23, v19  }
0x117: {  	v25 =	vld [tilespmem:s24+$0xFFFFFFD0];
	p0 =	slt.u32 s1, $0x78;
	[tilespmem:s0+$0xFFFFFFE0] =	vst v26;
	v21 =	vmul.f32 v21, v19  }
0x118: {  	v26 =	vld [tilespmem:s24+$0xFFFFFFE0];
	[tilespmem:s0+$0xFFFFFFF0] =	vst v23;
	v20 =	vmul.f32 v20, v19  }
.Ltmp8:
0x119: {  	v23 =	vld [tilespmem:s24+$0xFFFFFFF0];
	[tilespmem:s0+$0x0] =	vst v21;
	v22 =	vmul.f32 v22, v19;
	(pc) =	sbr.rel @p0 .LBB2_19-.Ltmp8, $4  }
0x11a: {  	v21 =	vld [tilespmem:s24+$0x0];
	v24 =	vmul.f32 v24, v19;
	[tilespmem:s0+$0x10] =	vst v20  }
0x11b: {  	v20 =	vld [tilespmem:s24+$0x10];
	v27 =	vmul.f32 v27, v19;
	[tilespmem:s0+$0x20] =	vst v22  }
0x11c: {  	v25 =	vmul.f32 v25, v19;
	v22 =	vld [tilespmem:s24+$0x20];
	[tilespmem:s0+$0xFFFFFFC0] =	vst v24;
	s0 =	sadd.s32 $0x400, s0  }
0x11d: {  	v24 =	vld [tilespmem:s24+$0xFFFFFFC0];
	v26 =	vmul.f32 v26, v19;
	[tilespmem:s0+$0x30] =	vst v27;
	s24 =	sadd.s32 $0x400, s24  }
0x11e: {  	[tilespmem:s0+$0xFFFFFFD0] =	vst v25;
	v23 =	vmul.f32 v23, v19  }
0x11f: {  	[tilespmem:s0+$0xFFFFFFE0] =	vst v26;
	v21 =	vmul.f32 v21, v19  }
0x120: {  	[tilespmem:s0+$0xFFFFFFF0] =	vst v23;
	v20 =	vmul.f32 v20, v19  }
0x121: {  	[tilespmem:s0+$0x0] =	vst v21;
	v21 =	vmul.f32 v22, v19  }
0x122: {  	v19 =	vmul.f32 v24, v19;
	[tilespmem:s0+$0x10] =	vst v20  }
0x123: {  	[tilespmem:s0+$0x20] =	vst v21  }
0x124: {  	s24 =	simm.s32 $0x52F0;
	[tilespmem:s0+$0xFFFFFFC0] =	vst v19  }
0x125: {  	v22 =	vld [tilespmem:s24+$0x0]  }
0x126: {  	v24 =	vld [tilespmem:s24+$0xFFFFFFA0]  }
0x127: {  	v26 =	vld [tilespmem:s24+$0xFFFFFFB0]  }
0x128: {  	v19 =	vperm.xlane v18, v11;
	v23 =	vld [tilespmem:s24+$0xFFFFFFC0]  }
0x129: {  	v21 =	vld [tilespmem:s24+$0xFFFFFFD0]  }
0x12a: {  	v20 =	vld [tilespmem:s24+$0xFFFFFFE0];
	v27 =	vmul.f32 v22, v19  }
0x12b: {  	s0 =	simm.s32 $0xD2F0;
	v22 =	vld [tilespmem:s24+$0xFFFFFFF0];
	v25 =	vmul.f32 v24, v19  }
0x12c: {  	s1 =	simm.s32 $0x0;
	v24 =	vld [tilespmem:s24+$0xFFFFFF90];
	v26 =	vmul.f32 v26, v19;
	s24 =	simm.s32 $0x56F0;
	[tilespmem:s0+$0x0] =	vst v27  }
.LBB2_21:
0x12d: {  	v27 =	vld [tilespmem:s24+$0x0];
	s1 =	sadd.s32 $0x8, s1;
	[tilespmem:s0+$0xFFFFFFA0] =	vst v25;
	v23 =	vmul.f32 v23, v19  }
0x12e: {  	v25 =	vld [tilespmem:s24+$0xFFFFFFA0];
	p0 =	slt.u32 s1, $0x78;
	[tilespmem:s0+$0xFFFFFFB0] =	vst v26;
	v21 =	vmul.f32 v21, v19  }
0x12f: {  	v26 =	vld [tilespmem:s24+$0xFFFFFFB0];
	[tilespmem:s0+$0xFFFFFFC0] =	vst v23;
	v20 =	vmul.f32 v20, v19  }
.Ltmp9:
0x130: {  	v23 =	vld [tilespmem:s24+$0xFFFFFFC0];
	[tilespmem:s0+$0xFFFFFFD0] =	vst v21;
	v22 =	vmul.f32 v22, v19;
	(pc) =	sbr.rel @p0 .LBB2_21-.Ltmp9, $4  }
0x131: {  	v21 =	vld [tilespmem:s24+$0xFFFFFFD0];
	v24 =	vmul.f32 v24, v19;
	[tilespmem:s0+$0xFFFFFFE0] =	vst v20  }
0x132: {  	v20 =	vld [tilespmem:s24+$0xFFFFFFE0];
	v27 =	vmul.f32 v27, v19;
	[tilespmem:s0+$0xFFFFFFF0] =	vst v22  }
0x133: {  	v25 =	vmul.f32 v25, v19;
	v22 =	vld [tilespmem:s24+$0xFFFFFFF0];
	[tilespmem:s0+$0xFFFFFF90] =	vst v24;
	s0 =	sadd.s32 $0x400, s0  }
0x134: {  	v24 =	vld [tilespmem:s24+$0xFFFFFF90];
	v26 =	vmul.f32 v26, v19;
	[tilespmem:s0+$0x0] =	vst v27;
	s24 =	sadd.s32 $0x400, s24  }
0x135: {  	[tilespmem:s0+$0xFFFFFFA0] =	vst v25;
	v23 =	vmul.f32 v23, v19  }
0x136: {  	[tilespmem:s0+$0xFFFFFFB0] =	vst v26;
	v21 =	vmul.f32 v21, v19  }
0x137: {  	[tilespmem:s0+$0xFFFFFFC0] =	vst v23;
	v20 =	vmul.f32 v20, v19  }
0x138: {  	[tilespmem:s0+$0xFFFFFFD0] =	vst v21;
	v21 =	vmul.f32 v22, v19  }
0x139: {  	v19 =	vmul.f32 v24, v19;
	[tilespmem:s0+$0xFFFFFFE0] =	vst v20  }
0x13a: {  	[tilespmem:s0+$0xFFFFFFF0] =	vst v21  }
0x13b: {  	s24 =	simm.s32 $0x5370;
	[tilespmem:s0+$0xFFFFFF90] =	vst v19  }
0x13c: {  	v22 =	vld [tilespmem:s24+$0x0]  }
0x13d: {  	v24 =	vld [tilespmem:s24+$0xFFFFFFA0]  }
0x13e: {  	v26 =	vld [tilespmem:s24+$0xFFFFFFB0]  }
0x13f: {  	v19 =	vperm.xlane v18, v12;
	v23 =	vld [tilespmem:s24+$0xFFFFFFC0]  }
0x140: {  	v21 =	vld [tilespmem:s24+$0xFFFFFFD0]  }
0x141: {  	v20 =	vld [tilespmem:s24+$0xFFFFFFE0];
	v27 =	vmul.f32 v22, v19  }
0x142: {  	s0 =	simm.s32 $0xD370;
	v22 =	vld [tilespmem:s24+$0xFFFFFFF0];
	v25 =	vmul.f32 v24, v19  }
0x143: {  	s1 =	simm.s32 $0x0;
	v24 =	vld [tilespmem:s24+$0xFFFFFF90];
	v26 =	vmul.f32 v26, v19;
	s24 =	simm.s32 $0x5770;
	[tilespmem:s0+$0x0] =	vst v27  }
.LBB2_23:
0x144: {  	v27 =	vld [tilespmem:s24+$0x0];
	s1 =	sadd.s32 $0x8, s1;
	[tilespmem:s0+$0xFFFFFFA0] =	vst v25;
	v23 =	vmul.f32 v23, v19  }
0x145: {  	v25 =	vld [tilespmem:s24+$0xFFFFFFA0];
	p0 =	slt.u32 s1, $0x78;
	[tilespmem:s0+$0xFFFFFFB0] =	vst v26;
	v21 =	vmul.f32 v21, v19  }
0x146: {  	v26 =	vld [tilespmem:s24+$0xFFFFFFB0];
	[tilespmem:s0+$0xFFFFFFC0] =	vst v23;
	v20 =	vmul.f32 v20, v19  }
.Ltmp10:
0x147: {  	v23 =	vld [tilespmem:s24+$0xFFFFFFC0];
	[tilespmem:s0+$0xFFFFFFD0] =	vst v21;
	v22 =	vmul.f32 v22, v19;
	(pc) =	sbr.rel @p0 .LBB2_23-.Ltmp10, $4  }
0x148: {  	v21 =	vld [tilespmem:s24+$0xFFFFFFD0];
	v24 =	vmul.f32 v24, v19;
	[tilespmem:s0+$0xFFFFFFE0] =	vst v20  }
0x149: {  	v20 =	vld [tilespmem:s24+$0xFFFFFFE0];
	v27 =	vmul.f32 v27, v19;
	[tilespmem:s0+$0xFFFFFFF0] =	vst v22  }
0x14a: {  	v25 =	vmul.f32 v25, v19;
	v22 =	vld [tilespmem:s24+$0xFFFFFFF0];
	[tilespmem:s0+$0xFFFFFF90] =	vst v24;
	s0 =	sadd.s32 $0x400, s0  }
0x14b: {  	v24 =	vld [tilespmem:s24+$0xFFFFFF90];
	v26 =	vmul.f32 v26, v19;
	[tilespmem:s0+$0x0] =	vst v27;
	s24 =	sadd.s32 $0x400, s24  }
0x14c: {  	[tilespmem:s0+$0xFFFFFFA0] =	vst v25;
	v23 =	vmul.f32 v23, v19  }
0x14d: {  	[tilespmem:s0+$0xFFFFFFB0] =	vst v26;
	v21 =	vmul.f32 v21, v19  }
0x14e: {  	[tilespmem:s0+$0xFFFFFFC0] =	vst v23;
	v20 =	vmul.f32 v20, v19  }
0x14f: {  	[tilespmem:s0+$0xFFFFFFD0] =	vst v21;
	v21 =	vmul.f32 v22, v19  }
0x150: {  	v19 =	vmul.f32 v24, v19;
	[tilespmem:s0+$0xFFFFFFE0] =	vst v20  }
0x151: {  	[tilespmem:s0+$0xFFFFFFF0] =	vst v21  }
0x152: {  	s24 =	simm.s32 $0x53F0;
	[tilespmem:s0+$0xFFFFFF90] =	vst v19  }
0x153: {  	v22 =	vld [tilespmem:s24+$0x0]  }
0x154: {  	v24 =	vld [tilespmem:s24+$0xFFFFFFA0]  }
0x155: {  	v26 =	vld [tilespmem:s24+$0xFFFFFFB0]  }
0x156: {  	v19 =	vperm.xlane v18, v13;
	v23 =	vld [tilespmem:s24+$0xFFFFFFC0]  }
0x157: {  	v21 =	vld [tilespmem:s24+$0xFFFFFFD0]  }
0x158: {  	v20 =	vld [tilespmem:s24+$0xFFFFFFE0];
	v27 =	vmul.f32 v22, v19  }
0x159: {  	s0 =	simm.s32 $0xD3F0;
	v22 =	vld [tilespmem:s24+$0xFFFFFFF0];
	v25 =	vmul.f32 v24, v19  }
0x15a: {  	s1 =	simm.s32 $0x0;
	v24 =	vld [tilespmem:s24+$0xFFFFFF90];
	v26 =	vmul.f32 v26, v19;
	s24 =	simm.s32 $0x57F0;
	[tilespmem:s0+$0x0] =	vst v27  }
.LBB2_25:
0x15b: {  	v27 =	vld [tilespmem:s24+$0x0];
	s1 =	sadd.s32 $0x8, s1;
	[tilespmem:s0+$0xFFFFFFA0] =	vst v25;
	v23 =	vmul.f32 v23, v19  }
0x15c: {  	v25 =	vld [tilespmem:s24+$0xFFFFFFA0];
	p0 =	slt.u32 s1, $0x78;
	[tilespmem:s0+$0xFFFFFFB0] =	vst v26;
	v21 =	vmul.f32 v21, v19  }
0x15d: {  	v26 =	vld [tilespmem:s24+$0xFFFFFFB0];
	[tilespmem:s0+$0xFFFFFFC0] =	vst v23;
	v20 =	vmul.f32 v20, v19  }
.Ltmp11:
0x15e: {  	v23 =	vld [tilespmem:s24+$0xFFFFFFC0];
	[tilespmem:s0+$0xFFFFFFD0] =	vst v21;
	v22 =	vmul.f32 v22, v19;
	(pc) =	sbr.rel @p0 .LBB2_25-.Ltmp11, $4  }
0x15f: {  	v21 =	vld [tilespmem:s24+$0xFFFFFFD0];
	v24 =	vmul.f32 v24, v19;
	[tilespmem:s0+$0xFFFFFFE0] =	vst v20  }
0x160: {  	v20 =	vld [tilespmem:s24+$0xFFFFFFE0];
	v27 =	vmul.f32 v27, v19;
	[tilespmem:s0+$0xFFFFFFF0] =	vst v22  }
0x161: {  	v25 =	vmul.f32 v25, v19;
	v22 =	vld [tilespmem:s24+$0xFFFFFFF0];
	[tilespmem:s0+$0xFFFFFF90] =	vst v24;
	s0 =	sadd.s32 $0x400, s0  }
0x162: {  	v24 =	vld [tilespmem:s24+$0xFFFFFF90];
	v26 =	vmul.f32 v26, v19;
	[tilespmem:s0+$0x0] =	vst v27;
	s24 =	sadd.s32 $0x400, s24  }
0x163: {  	[tilespmem:s0+$0xFFFFFFA0] =	vst v25;
	v23 =	vmul.f32 v23, v19  }
0x164: {  	[tilespmem:s0+$0xFFFFFFB0] =	vst v26;
	v21 =	vmul.f32 v21, v19  }
0x165: {  	[tilespmem:s0+$0xFFFFFFC0] =	vst v23;
	v20 =	vmul.f32 v20, v19  }
0x166: {  	[tilespmem:s0+$0xFFFFFFD0] =	vst v21;
	v21 =	vmul.f32 v22, v19  }
0x167: {  	v19 =	vmul.f32 v24, v19;
	[tilespmem:s0+$0xFFFFFFE0] =	vst v20  }
0x168: {  	[tilespmem:s0+$0xFFFFFFF0] =	vst v21  }
0x169: {  	s24 =	simm.s32 $0x5470;
	[tilespmem:s0+$0xFFFFFF90] =	vst v19  }
0x16a: {  	v22 =	vld [tilespmem:s24+$0x0]  }
0x16b: {  	v24 =	vld [tilespmem:s24+$0xFFFFFFA0]  }
0x16c: {  	v26 =	vld [tilespmem:s24+$0xFFFFFFB0]  }
0x16d: {  	v19 =	vperm.xlane v18, v14;
	v23 =	vld [tilespmem:s24+$0xFFFFFFC0]  }
0x16e: {  	v21 =	vld [tilespmem:s24+$0xFFFFFFD0]  }
0x16f: {  	v20 =	vld [tilespmem:s24+$0xFFFFFFE0];
	v27 =	vmul.f32 v22, v19  }
0x170: {  	s0 =	simm.s32 $0xD470;
	v22 =	vld [tilespmem:s24+$0xFFFFFFF0];
	v25 =	vmul.f32 v24, v19  }
0x171: {  	s1 =	simm.s32 $0x0;
	v24 =	vld [tilespmem:s24+$0xFFFFFF90];
	v26 =	vmul.f32 v26, v19;
	s24 =	simm.s32 $0x5870;
	[tilespmem:s0+$0x0] =	vst v27  }
.LBB2_27:
0x172: {  	v27 =	vld [tilespmem:s24+$0x0];
	s1 =	sadd.s32 $0x8, s1;
	[tilespmem:s0+$0xFFFFFFA0] =	vst v25;
	v23 =	vmul.f32 v23, v19  }
0x173: {  	v25 =	vld [tilespmem:s24+$0xFFFFFFA0];
	p0 =	slt.u32 s1, $0x78;
	[tilespmem:s0+$0xFFFFFFB0] =	vst v26;
	v21 =	vmul.f32 v21, v19  }
0x174: {  	v26 =	vld [tilespmem:s24+$0xFFFFFFB0];
	[tilespmem:s0+$0xFFFFFFC0] =	vst v23;
	v20 =	vmul.f32 v20, v19  }
.Ltmp12:
0x175: {  	v23 =	vld [tilespmem:s24+$0xFFFFFFC0];
	[tilespmem:s0+$0xFFFFFFD0] =	vst v21;
	v22 =	vmul.f32 v22, v19;
	(pc) =	sbr.rel @p0 .LBB2_27-.Ltmp12, $4  }
0x176: {  	v21 =	vld [tilespmem:s24+$0xFFFFFFD0];
	v24 =	vmul.f32 v24, v19;
	[tilespmem:s0+$0xFFFFFFE0] =	vst v20  }
0x177: {  	v20 =	vld [tilespmem:s24+$0xFFFFFFE0];
	v27 =	vmul.f32 v27, v19;
	[tilespmem:s0+$0xFFFFFFF0] =	vst v22  }
0x178: {  	v25 =	vmul.f32 v25, v19;
	v22 =	vld [tilespmem:s24+$0xFFFFFFF0];
	[tilespmem:s0+$0xFFFFFF90] =	vst v24;
	s0 =	sadd.s32 $0x400, s0  }
0x179: {  	v24 =	vld [tilespmem:s24+$0xFFFFFF90];
	v26 =	vmul.f32 v26, v19;
	[tilespmem:s0+$0x0] =	vst v27;
	s24 =	sadd.s32 $0x400, s24  }
0x17a: {  	[tilespmem:s0+$0xFFFFFFA0] =	vst v25;
	v23 =	vmul.f32 v23, v19  }
0x17b: {  	[tilespmem:s0+$0xFFFFFFB0] =	vst v26;
	v21 =	vmul.f32 v21, v19  }
0x17c: {  	[tilespmem:s0+$0xFFFFFFC0] =	vst v23;
	v20 =	vmul.f32 v20, v19  }
0x17d: {  	[tilespmem:s0+$0xFFFFFFD0] =	vst v21;
	v21 =	vmul.f32 v22, v19  }
0x17e: {  	v19 =	vmul.f32 v24, v19;
	[tilespmem:s0+$0xFFFFFFE0] =	vst v20  }
0x17f: {  	[tilespmem:s0+$0xFFFFFFF0] =	vst v21  }
0x180: {  	s24 =	simm.s32 $0x54F0;
	[tilespmem:s0+$0xFFFFFF90] =	vst v19  }
0x181: {  	v22 =	vld [tilespmem:s24+$0x0]  }
0x182: {  	v24 =	vld [tilespmem:s24+$0xFFFFFFA0]  }
0x183: {  	v26 =	vld [tilespmem:s24+$0xFFFFFFB0]  }
0x184: {  	v19 =	vperm.xlane v18, v15;
	v23 =	vld [tilespmem:s24+$0xFFFFFFC0]  }
0x185: {  	v21 =	vld [tilespmem:s24+$0xFFFFFFD0]  }
0x186: {  	v20 =	vld [tilespmem:s24+$0xFFFFFFE0];
	v27 =	vmul.f32 v22, v19  }
0x187: {  	s0 =	simm.s32 $0xD4F0;
	v22 =	vld [tilespmem:s24+$0xFFFFFFF0];
	v25 =	vmul.f32 v24, v19  }
0x188: {  	s1 =	simm.s32 $0x0;
	v24 =	vld [tilespmem:s24+$0xFFFFFF90];
	v26 =	vmul.f32 v26, v19;
	s24 =	simm.s32 $0x58F0;
	[tilespmem:s0+$0x0] =	vst v27  }
.LBB2_29:
0x189: {  	v27 =	vld [tilespmem:s24+$0x0];
	s1 =	sadd.s32 $0x8, s1;
	[tilespmem:s0+$0xFFFFFFA0] =	vst v25;
	v23 =	vmul.f32 v23, v19  }
0x18a: {  	v25 =	vld [tilespmem:s24+$0xFFFFFFA0];
	p0 =	slt.u32 s1, $0x78;
	[tilespmem:s0+$0xFFFFFFB0] =	vst v26;
	v21 =	vmul.f32 v21, v19  }
0x18b: {  	v26 =	vld [tilespmem:s24+$0xFFFFFFB0];
	[tilespmem:s0+$0xFFFFFFC0] =	vst v23;
	v20 =	vmul.f32 v20, v19  }
.Ltmp13:
0x18c: {  	v23 =	vld [tilespmem:s24+$0xFFFFFFC0];
	[tilespmem:s0+$0xFFFFFFD0] =	vst v21;
	v22 =	vmul.f32 v22, v19;
	(pc) =	sbr.rel @p0 .LBB2_29-.Ltmp13, $4  }
0x18d: {  	v21 =	vld [tilespmem:s24+$0xFFFFFFD0];
	v24 =	vmul.f32 v24, v19;
	[tilespmem:s0+$0xFFFFFFE0] =	vst v20  }
0x18e: {  	v20 =	vld [tilespmem:s24+$0xFFFFFFE0];
	v27 =	vmul.f32 v27, v19;
	[tilespmem:s0+$0xFFFFFFF0] =	vst v22  }
0x18f: {  	v25 =	vmul.f32 v25, v19;
	v22 =	vld [tilespmem:s24+$0xFFFFFFF0];
	[tilespmem:s0+$0xFFFFFF90] =	vst v24;
	s0 =	sadd.s32 $0x400, s0  }
0x190: {  	v24 =	vld [tilespmem:s24+$0xFFFFFF90];
	v26 =	vmul.f32 v26, v19;
	[tilespmem:s0+$0x0] =	vst v27;
	s24 =	sadd.s32 $0x400, s24  }
0x191: {  	[tilespmem:s0+$0xFFFFFFA0] =	vst v25;
	v23 =	vmul.f32 v23, v19  }
0x192: {  	[tilespmem:s0+$0xFFFFFFB0] =	vst v26;
	v21 =	vmul.f32 v21, v19  }
0x193: {  	[tilespmem:s0+$0xFFFFFFC0] =	vst v23;
	v20 =	vmul.f32 v20, v19  }
0x194: {  	[tilespmem:s0+$0xFFFFFFD0] =	vst v21;
	v21 =	vmul.f32 v22, v19  }
0x195: {  	v19 =	vmul.f32 v24, v19;
	[tilespmem:s0+$0xFFFFFFE0] =	vst v20  }
0x196: {  	[tilespmem:s0+$0xFFFFFFF0] =	vst v21  }
0x197: {  	s24 =	simm.s32 $0x5570;
	[tilespmem:s0+$0xFFFFFF90] =	vst v19  }
0x198: {  	v22 =	vld [tilespmem:s24+$0x0]  }
0x199: {  	v24 =	vld [tilespmem:s24+$0xFFFFFFA0]  }
0x19a: {  	v26 =	vld [tilespmem:s24+$0xFFFFFFB0]  }
0x19b: {  	v19 =	vperm.xlane v18, v16;
	v23 =	vld [tilespmem:s24+$0xFFFFFFC0]  }
0x19c: {  	v21 =	vld [tilespmem:s24+$0xFFFFFFD0]  }
0x19d: {  	v20 =	vld [tilespmem:s24+$0xFFFFFFE0];
	v27 =	vmul.f32 v22, v19  }
0x19e: {  	s0 =	simm.s32 $0xD570;
	v22 =	vld [tilespmem:s24+$0xFFFFFFF0];
	v25 =	vmul.f32 v24, v19  }
0x19f: {  	s1 =	simm.s32 $0x0;
	v24 =	vld [tilespmem:s24+$0xFFFFFF90];
	v26 =	vmul.f32 v26, v19;
	s24 =	simm.s32 $0x5970;
	[tilespmem:s0+$0x0] =	vst v27  }
.LBB2_31:
0x1a0: {  	v27 =	vld [tilespmem:s24+$0x0];
	s1 =	sadd.s32 $0x8, s1;
	[tilespmem:s0+$0xFFFFFFA0] =	vst v25;
	v23 =	vmul.f32 v23, v19  }
0x1a1: {  	v25 =	vld [tilespmem:s24+$0xFFFFFFA0];
	p0 =	slt.u32 s1, $0x78;
	[tilespmem:s0+$0xFFFFFFB0] =	vst v26;
	v21 =	vmul.f32 v21, v19  }
0x1a2: {  	v26 =	vld [tilespmem:s24+$0xFFFFFFB0];
	[tilespmem:s0+$0xFFFFFFC0] =	vst v23;
	v20 =	vmul.f32 v20, v19  }
.Ltmp14:
0x1a3: {  	v23 =	vld [tilespmem:s24+$0xFFFFFFC0];
	[tilespmem:s0+$0xFFFFFFD0] =	vst v21;
	v22 =	vmul.f32 v22, v19;
	(pc) =	sbr.rel @p0 .LBB2_31-.Ltmp14, $4  }
0x1a4: {  	v21 =	vld [tilespmem:s24+$0xFFFFFFD0];
	v24 =	vmul.f32 v24, v19;
	[tilespmem:s0+$0xFFFFFFE0] =	vst v20  }
0x1a5: {  	v20 =	vld [tilespmem:s24+$0xFFFFFFE0];
	v27 =	vmul.f32 v27, v19;
	[tilespmem:s0+$0xFFFFFFF0] =	vst v22  }
0x1a6: {  	v25 =	vmul.f32 v25, v19;
	v22 =	vld [tilespmem:s24+$0xFFFFFFF0];
	[tilespmem:s0+$0xFFFFFF90] =	vst v24;
	s0 =	sadd.s32 $0x400, s0  }
0x1a7: {  	v24 =	vld [tilespmem:s24+$0xFFFFFF90];
	v26 =	vmul.f32 v26, v19;
	[tilespmem:s0+$0x0] =	vst v27;
	s24 =	sadd.s32 $0x400, s24  }
0x1a8: {  	[tilespmem:s0+$0xFFFFFFA0] =	vst v25;
	v23 =	vmul.f32 v23, v19  }
0x1a9: {  	[tilespmem:s0+$0xFFFFFFB0] =	vst v26;
	v21 =	vmul.f32 v21, v19  }
0x1aa: {  	[tilespmem:s0+$0xFFFFFFC0] =	vst v23;
	v20 =	vmul.f32 v20, v19  }
0x1ab: {  	[tilespmem:s0+$0xFFFFFFD0] =	vst v21;
	v21 =	vmul.f32 v22, v19  }
0x1ac: {  	v19 =	vmul.f32 v24, v19;
	[tilespmem:s0+$0xFFFFFFE0] =	vst v20  }
0x1ad: {  	[tilespmem:s0+$0xFFFFFFF0] =	vst v21  }
0x1ae: {  	s24 =	simm.s32 $0x55F0;
	[tilespmem:s0+$0xFFFFFF90] =	vst v19  }
0x1af: {  	v21 =	vld [tilespmem:s24+$0x0]  }
0x1b0: {  	v23 =	vld [tilespmem:s24+$0xFFFFFFA0]  }
0x1b1: {  	v25 =	vld [tilespmem:s24+$0xFFFFFFB0]  }
0x1b2: {  	v18 =	vperm.xlane v18, v17;
	v22 =	vld [tilespmem:s24+$0xFFFFFFC0]  }
0x1b3: {  	v20 =	vld [tilespmem:s24+$0xFFFFFFD0]  }
0x1b4: {  	v19 =	vld [tilespmem:s24+$0xFFFFFFE0];
	v26 =	vmul.f32 v21, v18  }
0x1b5: {  	s0 =	simm.s32 $0xD5F0;
	v21 =	vld [tilespmem:s24+$0xFFFFFFF0];
	v24 =	vmul.f32 v23, v18  }
0x1b6: {  	s1 =	simm.s32 $0x0;
	v23 =	vld [tilespmem:s24+$0xFFFFFF90];
	v25 =	vmul.f32 v25, v18;
	s24 =	simm.s32 $0x59F0;
	[tilespmem:s0+$0x0] =	vst v26  }
.LBB2_33:
0x1b7: {  	v26 =	vld [tilespmem:s24+$0x0];
	s1 =	sadd.s32 $0x8, s1;
	[tilespmem:s0+$0xFFFFFFA0] =	vst v24;
	v22 =	vmul.f32 v22, v18  }
0x1b8: {  	v24 =	vld [tilespmem:s24+$0xFFFFFFA0];
	p0 =	slt.u32 s1, $0x78;
	[tilespmem:s0+$0xFFFFFFB0] =	vst v25;
	v20 =	vmul.f32 v20, v18  }
0x1b9: {  	v25 =	vld [tilespmem:s24+$0xFFFFFFB0];
	[tilespmem:s0+$0xFFFFFFC0] =	vst v22;
	v19 =	vmul.f32 v19, v18  }
.Ltmp15:
0x1ba: {  	v22 =	vld [tilespmem:s24+$0xFFFFFFC0];
	[tilespmem:s0+$0xFFFFFFD0] =	vst v20;
	v21 =	vmul.f32 v21, v18;
	(pc) =	sbr.rel @p0 .LBB2_33-.Ltmp15, $4  }
0x1bb: {  	v20 =	vld [tilespmem:s24+$0xFFFFFFD0];
	v23 =	vmul.f32 v23, v18;
	[tilespmem:s0+$0xFFFFFFE0] =	vst v19  }
0x1bc: {  	v19 =	vld [tilespmem:s24+$0xFFFFFFE0];
	v26 =	vmul.f32 v26, v18;
	[tilespmem:s0+$0xFFFFFFF0] =	vst v21  }
0x1bd: {  	v24 =	vmul.f32 v24, v18;
	v21 =	vld [tilespmem:s24+$0xFFFFFFF0];
	[tilespmem:s0+$0xFFFFFF90] =	vst v23;
	s0 =	sadd.s32 $0x400, s0  }
0x1be: {  	v23 =	vld [tilespmem:s24+$0xFFFFFF90];
	v25 =	vmul.f32 v25, v18;
	[tilespmem:s0+$0x0] =	vst v26;
	s24 =	sadd.s32 $0x400, s24  }
0x1bf: {  	[tilespmem:s0+$0xFFFFFFA0] =	vst v24;
	v22 =	vmul.f32 v22, v18  }
0x1c0: {  	[tilespmem:s0+$0xFFFFFFB0] =	vst v25;
	v20 =	vmul.f32 v20, v18  }
0x1c1: {  	[tilespmem:s0+$0xFFFFFFC0] =	vst v22;
	v19 =	vmul.f32 v19, v18  }
0x1c2: {  	[tilespmem:s0+$0xFFFFFFD0] =	vst v20;
	v63 =	vmul.f32 v21, v18  }
0x1c3: {  	v18 =	vmul.f32 v23, v18;
	[tilespmem:s0+$0xFFFFFFE0] =	vst v19  }
0x1c4: {  	[tilespmem:s0+$0xFFFFFFF0] =	vst v63  }
0x1c5: {  	s1 =	simm.s32 @!p1 $0x0;
	s24 =	simm.s32 @!p1 $0x5200;
	[tilespmem:s0+$0xFFFFFF90] =	vst v18;
	s0 =	sadd.s32 @!p1 s19, s29  }
0x1c6: {  	[tilespmem:s24], [sflag:$0x3] =	stream.linear.gather @!p1 [hbm4b:s0+s1], $0x4000, $0x38;
	[tilespmem:$0x11200] =	vst v63  }
0x1c7: {  	v18 =	vld.msk [tilespmem:s31+$0x80], $0xff;
	_ =	sdelay $0x4  }
0x1c8: {  	v19 =	vshll.u32 v18, $0x4  }
0x1c9: {  	v18 =	vand.u32 $0x7, v18;
	v19 =	vand.u32 $0xFFFFFF80, v19  }
0x1ca: {  	v18 =	vor.u32 v18, v19  }
0x1cb: {  	v18 =	vperm.xlane v18, v8;
	_ =	sdelay $0x1  }
0x1cc: {  	v18 =	vadd.s32 v9, v18;
	_ =	sdelay $0x4  }
0x1cd: {  	[hbm4b:s3+s4] =	stream.indirect_vreg.scatter [tilespmem:s22], [sflag:$0x5], $0x80, v18, vm0, $0xb8;
	[tilespmem:$0x11200] =	vst v63  }
0x1ce: {  	_ = 	snop  }
0x1cf: {  	[hbm4b:s10+s4] =	stream.indirect_vreg.scatter [tilespmem:s23], [sflag:$0x5], $0x80, v18, vm0, $0xb8;
	[tilespmem:$0x11200] =	vst v63  }
0x1d0: {  	_ = 	snop  }
0x1d1: {  	[hbm4b:s11+s4] =	stream.indirect_vreg.scatter [tilespmem:s5], [sflag:$0x5], $0x80, v18, vm0, $0xb8;
	[tilespmem:$0x11200] =	vst v63  }
0x1d2: {  	_ = 	snop  }
0x1d3: {  	[hbm4b:s12+s4] =	stream.indirect_vreg.scatter [tilespmem:s6], [sflag:$0x5], $0x80, v18, vm0, $0xb8;
	[tilespmem:$0x11200] =	vst v63  }
0x1d4: {  	s20 =	sadd.s32 $0x1, s20  }
0x1d5: {  	[hbm4b:s13+s4] =	stream.indirect_vreg.scatter [tilespmem:s8], [sflag:$0x5], $0x80, v18, vm0, $0xb8;
	[tilespmem:$0x11200] =	vst v63  }
0x1d6: {  	p0 =	sne.s32 s20, $0x10  }
0x1d7: {  	[hbm4b:s14+s4] =	stream.indirect_vreg.scatter [tilespmem:s9], [sflag:$0x5], $0x80, v18, vm0, $0xb8;
	[tilespmem:$0x11200] =	vst v63  }
.Ltmp16:
0x1d8: {  	_ = 	snop;
	(pc) =	sbr.rel @p0 .LBB2_2-.Ltmp16, $4  }
0x1d9: {  	_ = 	snop  }
0x1da: {  	[hbm4b:s15+s4] =	stream.indirect_vreg.scatter [tilespmem:s17], [sflag:$0x5], $0x80, v18, vm0, $0xb8;
	[tilespmem:$0x11200] =	vst v63  }
0x1db: {  	_ = 	snop  }
0x1dc: {  	[hbm4b:s16+s4] =	stream.indirect_vreg.scatter [tilespmem:s7], [sflag:$0x5], $0x80, v18, vm0, $0xb8;
	[tilespmem:$0x11200] =	vst v63  }
0x1dd: {  	s0 =	simm.s32 $0x4  }
0x1de: {  	_ =	swait.ge [sflag:s0], $0x4000  }
0x1df: {  	[sflag:s0] =	ssyncset.done $0x0  }
0x1e0: {  	s1 =	simm.s32 $0x5;
	[sflag:s0] =	ssyncadd.s32 $0xFFFFC000  }
0x1e1: {  	_ =	swait.ge [sflag:s1], $0x4000  }
0x1e2: {  	s20 =	rddreg [dreg:$0xb]  }
0x1e3: {  	s31 =	rddreg [dreg:$0xa];
	s20 =	sadd.s32 $0x1, s20  }
0x1e4: {  	p0 =	sne.s32 s20, s31  }
.Ltmp17:
0x1e5: {  	_ = 	snop;
	(pc) =	sbr.rel @p0 .LBB2_1-.Ltmp17, $3  }
0x1e6: {  	_ =	sdelay $0x1  }
0x1e7: {  	[sflag:s1] =	ssyncset.done $0x0  }
0x1e8: {  	[sflag:s1] =	ssyncadd.s32 $0xFFFFC000  }
0x1e9: {  	_ =	sfence.sel $0x180000  }
0x1ea: {  	[bflag:$0x0] =	sbarrier.arrive $0xFFFF  }
0x1eb: {  	_ =	strace $0x90000047  }
0x1ec: {  	s0 =	stileid.u32;
	[bflag:$0x2] =	sbarrier.arrive $0xFFFF  }
0x1ed: {  	p0 =	sne.s32 s0, $0x0;
	s0 =	rddreg [dreg:$0x4]  }
0x1ee: {  	s0 =	sadd.s32 @!p0 $0x100000, s0  }
0x1ef: {  	[sflag:s0] =	ssyncadd.tile.s32 @!p0 $0x1;
	_ =	shalt  }
.Lfunc_end2:
_tile_overlayer_lowered:
.L_overlay_start_2:
0x1f0: {  	(tag) =	ssettag $0x2  }
0x1f1: {  	s0 =	rddreg [dreg:$0x0];
	s2 =	stileid.u32  }
0x1f2: {  	s1 =	rddreg [dreg:$0x1];
	p0 =	sne.s32 s2, $0x0  }
0x1f3: {  	s3 =	rddreg [dreg:$0x2];
	[bflag:$0x3] =	sbarrier.arrive $0xFFFF;
	s2 =	simm.s32 @!p0 $0x1C06  }
0x1f4: {  	[timem:s3], [sflag:s2] =	dma.local @!p0 [hbm:s0], s1  }
0x1f5: {  	s0 =	simm.s32 @!p0 $0x6  }
0x1f6: {  	_ =	swait.ge @!p0 [sflag:s0], s1  }
0x1f7: {  	s1 =	ssub.s32 @!p0 $0x0, s1;
	[sflag:s0] =	ssyncset.done @!p0 $0x0  }
0x1f8: {  	[sflag:s0] =	ssyncadd.s32 @!p0 s1  }
0x1f9: {  	[bflag:$0x3] =	sbarrier.arrive $0xFFFF  }
0x1fa: {  	_ =	shalt  }

</sc_bundles>
